<compile_context>
chip_gen: v7x
topology: tpu7x:2x2x1
jax: 0.10.2.dev20260603
libtpu: 0.0.44.dev20260713+nightly
codegen_flags: <defaults>
</compile_context>

<pallas_src>
import functools

import jax
import jax.numpy as jnp
from jax import lax
from jax.experimental import pallas as pl
from jax.experimental.pallas import tpu as pltpu
from jax.experimental.pallas import tpu_sc as plsc

D = 128
DA = 144
K = 48
NC = 2
NS = 16
NW = NC * NS
NB = 3
GLA = 2
SHIFT = 14
F0 = 58



def _lin_l_body(n_pad, bn, x_ref, wl_ref, o_ref):
    y = lax.dot_general(x_ref[...], wl_ref[...], (((1,), (1,)), ((), ())),
                        preferred_element_type=jnp.float32)
    col = lax.broadcasted_iota(jnp.int32, y.shape, 1)
    row = pl.program_id(0) * bn + lax.broadcasted_iota(jnp.int32, y.shape, 0)
    ones = (col >= D) & (row < n_pad)
    o_ref[...] = y + ones.astype(jnp.float32)


def _lin_l(x_pad, wl_aug, n_pad):
    bn = 512
    n_tot = x_pad.shape[0]
    return pl.pallas_call(
        functools.partial(_lin_l_body, n_pad, bn),
        grid=(n_tot // bn,),
        in_specs=[
            pl.BlockSpec((bn, D), lambda i: (i, 0)),
            pl.BlockSpec((DA, D), lambda i: (0, 0)),
        ],
        out_specs=pl.BlockSpec((bn, DA), lambda i: (i, 0)),
        out_shape=jax.ShapeDtypeStruct((n_tot, DA), jnp.float32),
    )(x_pad, wl_aug)



def _sc_body(n_pad, c0, c1, y_hbm, pk_hbm, out_hbm,
             pk_v, idxg_v, idxs_v, rows_v, acc_sh, sem_g, sem_s):
    c = lax.axis_index("c")
    s = lax.axis_index("s")
    rows_per_tile = n_pad // NS
    base = s * rows_per_tile

    pltpu.sync_copy(y_hbm.at[pl.ds(n_pad, rows_per_tile)],
                    acc_sh.at[pl.ds(base, rows_per_tile)])
    plsc.subcore_barrier()

    def _unpack(j, b):
        for t in range(K // 16):
            pk = pk_v[pl.ds(j * K + 16 * t, 16)]
            idxg_v[b, pl.ds(16 * t, 16)] = lax.shift_right_logical(pk, SHIFT)
            idxs_v[b, pl.ds(16 * t, 16)] = lax.bitwise_and(
                pk, jnp.int32((1 << SHIFT) - 1))

    def _gather(j, b):
        _unpack(j, b)
        pltpu.async_copy(y_hbm.at[idxg_v.at[b]], rows_v.at[b], sem_g.at[b])

    def _gather_wait(j, b):
        pltpu.make_async_copy(y_hbm.at[idxg_v.at[b]], rows_v.at[b],
                              sem_g.at[b]).wait()

    def _scatter(j, b):
        pltpu.async_copy(rows_v.at[b], acc_sh.at[idxs_v.at[b]], sem_s.at[b],
                         add=True)

    def _scatter_wait(j, b):
        pltpu.make_async_copy(rows_v.at[b], acc_sh.at[idxs_v.at[b]],
                              sem_s.at[b]).wait()

    def _run(ch, start):
        assert ch % NB == 0
        pltpu.sync_copy(pk_hbm.at[pl.ds(start * K, ch * K)],
                        pk_v.at[pl.ds(0, ch * K)])

        for b in range(GLA):
            _gather(b, b)

        def _group(g, _):
            for b in range(NB):
                j = NB * g + b

                @pl.when(j >= NB - GLA)
                def _():
                    _scatter_wait(j - (NB - GLA), (b + GLA) % NB)

                @pl.when(j + GLA < ch)
                def _():
                    _gather(j + GLA, (b + GLA) % NB)

                _gather_wait(j, b)
                _scatter(j, b)
            return _

        lax.fori_loop(0, ch // NB, _group, None)
        for j in range(ch - (NB - GLA), ch):
            _scatter_wait(j, j % NB)

    @pl.when(c == 0)
    def _():
        _run(c0, s * c0)

    @pl.when(c == 1)
    def _():
        _run(c1, NS * c0 + s * c1)

    plsc.subcore_barrier()

    pltpu.sync_copy(acc_sh.at[pl.ds(base, rows_per_tile)],
                    out_hbm.at[c, pl.ds(base, rows_per_tile)])


def _sc_aggregate(y_aug, pk, n_pad, c0, c1):
    mesh = plsc.VectorSubcoreMesh(core_axis_name="c", subcore_axis_name="s",
                                  num_cores=NC, num_subcores=NS)
    kern = functools.partial(
        pl.kernel,
        out_type=jax.ShapeDtypeStruct((NC, n_pad, DA), jnp.float32),
        mesh=mesh,
        scratch_types=[
            pltpu.VMEM((c0 * K,), jnp.int32),
            pltpu.VMEM((NB, K), jnp.int32),
            pltpu.VMEM((NB, K), jnp.int32),
            pltpu.VMEM((NB, K, DA), jnp.float32),
            pltpu.VMEM_SHARED((n_pad, DA), jnp.float32),
            pltpu.SemaphoreType.DMA((NB,)),
            pltpu.SemaphoreType.DMA((NB,)),
        ],
        compiler_params=pltpu.CompilerParams(use_tc_tiling_on_sc=False),
    )(functools.partial(_sc_body, n_pad, c0, c1))
    return kern(y_aug, pk)



def _combine_body(x_ref, acc_ref, wr_ref, b_ref, o_ref):
    sm = acc_ref[0, :, :D] + acc_ref[1, :, :D]
    deg = acc_ref[0, :, D:D + 1] + acc_ref[1, :, D:D + 1]
    mean = sm / jnp.maximum(deg, 1.0)
    t = mean + b_ref[...] + lax.dot_general(
        x_ref[...], wr_ref[...], (((1,), (1,)), ((), ())),
        preferred_element_type=jnp.float32)
    n2 = jnp.sum(t * t, axis=1, keepdims=True)
    denom = jnp.maximum(jnp.sqrt(n2), 1e-12)
    o_ref[...] = jnp.maximum(t / denom, 0.0)


def _combine(x, acc, W_r, b_l2, n):
    bn = 1000
    return pl.pallas_call(
        _combine_body,
        grid=(n // bn,),
        in_specs=[
            pl.BlockSpec((bn, D), lambda i: (i, 0)),
            pl.BlockSpec((NC, bn, DA), lambda i: (0, i, 0)),
            pl.BlockSpec((D, D), lambda i: (0, 0)),
            pl.BlockSpec((1, D), lambda i: (0, 0)),
        ],
        out_specs=pl.BlockSpec((bn, D), lambda i: (i, 0)),
        out_shape=jax.ShapeDtypeStruct((n, D), jnp.float32),
    )(x, acc, W_r, b_l2)



def kernel(x, edge_index, W_l, b_l, W_r):
    n, d = x.shape
    e = edge_index.shape[1]
    assert d == D

    n_pad = ((n + NS - 1) // NS) * NS
    chunks_tot = -(-e // K)
    per_tile = -(-chunks_tot // NS)
    c0 = min(((per_tile * F0 // 100) + NB - 1) // NB * NB, per_tile + NB)
    c1 = max((per_tile - c0 + NB - 1) // NB * NB, NB)
    e_pad = NS * (c0 + c1) * K

    ei = edge_index.astype(jnp.int32)
    pad_dst = jnp.arange(e_pad - e, dtype=jnp.int32) % n_pad
    pk = jnp.concatenate([
        jnp.left_shift(ei[0], SHIFT) | ei[1],
        (n_pad << SHIFT) | pad_dst,
    ])

    n_tot = ((n_pad + n_pad // NS + 511) // 512) * 512
    x_pad = jnp.pad(x.astype(jnp.float32), ((0, n_tot - n), (0, 0)))
    wl_aug = jnp.pad(W_l.astype(jnp.float32), ((0, DA - D), (0, 0)))

    y_aug = _lin_l(x_pad, wl_aug, n_pad)
    acc = _sc_aggregate(y_aug, pk, n_pad, c0, c1)
    out = _combine(x.astype(jnp.float32), acc, W_r.astype(jnp.float32),
                   b_l.reshape(1, D).astype(jnp.float32), n)
    return out

# --- scband reference (transcript-rebuilt; emitter-appended) ---
"""Pipeline reference for scband-graph-sagelayer-7000796693166 (READ-ONLY COPY).

The authoritative reference and input builder live on the scoring server;
editing this copy changes nothing except your own understanding.
"""

import jax, jax.numpy as jnp
import numpy as np

N_NODES = 10000
N_EDGES = 320000
D_IN = 128
D_OUT = 128


def setup_inputs(seed: int = 0) -> dict:
    key = jax.random.key(seed)
    k1, k2, k3, k4, k5 = jax.random.split(key, 5)
    x = jax.random.normal(k1, (N_NODES, D_IN), dtype=jnp.float32)
    edge_index = jax.random.randint(k2, (2, N_EDGES), 0, N_NODES, dtype=jnp.int64)
    # SAGEConv params: lin_l (applied to aggregated neighbors, has bias),
    # lin_r (applied to root/self features, no bias)
    bound = 1.0 / np.sqrt(D_IN)
    W_l = jax.random.uniform(k3, (D_OUT, D_IN), dtype=jnp.float32, minval=-bound, maxval=bound)
    b_l = jnp.zeros((D_OUT,), dtype=jnp.float32)
    W_r = jax.random.uniform(k4, (D_OUT, D_IN), dtype=jnp.float32, minval=-bound, maxval=bound)
    return {"x": x, "edge_index": edge_index, "W_l": W_l, "b_l": b_l, "W_r": W_r}


def reference(x, edge_index, W_l, b_l, W_r):
    n = x.shape[0]
    src = edge_index[0]
    dst = edge_index[1]
    # message: x_j gathered from source nodes
    msgs = jnp.take(x, src, axis=0)
    # mean aggregation into destination nodes
    summed = jax.ops.segment_sum(msgs, dst, num_segments=n)
    deg = jax.ops.segment_sum(jnp.ones((edge_index.shape[1],), dtype=x.dtype), dst, num_segments=n)
    deg = jnp.clip(deg, 1.0, None)
    mean_agg = summed / deg[:, None]
    # SAGEConv: lin_l(aggr) + lin_r(x)
    out = mean_agg @ W_l.T + b_l + x @ W_r.T
    # normalize=True -> F.normalize(out, p=2, dim=-1)
    norm = jnp.linalg.norm(out, ord=2, axis=-1, keepdims=True)
    out = out / jnp.clip(norm, 1e-12, None)
    # activation ReLU; dropout is identity at inference
    out = jax.nn.relu(out)
    return out

if __name__ == "__main__":
    import jax
    _d = setup_inputs()
    print(jax.jit(kernel)(*tuple(_d.values())))

</pallas_src>

<mosaic_0001>
#map = affine_map<(d0, d1) -> (0, 0)>
#map1 = affine_map<(d0, d1) -> (0)>
#map2 = affine_map<(d0, d1) -> (0, 0, 0)>
module attributes {stable_mosaic.version = 14 : i64} {
  func.func @_sc_body(%arg0: i32, %arg1: i32, %arg2: memref<10752x144xf32, #tpu.memory_space<hbm>>, %arg3: memref<320256xi32, #tpu.memory_space<hbm>>, %arg4: memref<2x10000x144xf32, #tpu.memory_space<hbm>>, %arg5: memref<11664xi32, #tpu.memory_space<vmem>>, %arg6: memref<3x48xi32, #tpu.memory_space<vmem>>, %arg7: memref<3x48xi32, #tpu.memory_space<vmem>>, %arg8: memref<3x48x144xf32, #tpu.memory_space<vmem>>, %arg9: memref<10000x144xf32, #tpu.memory_space<vmem_shared>>, %arg10: memref<3x!tpu.dma_semaphore, #tpu.memory_space<semaphore_mem>>, %arg11: memref<3x!tpu.dma_semaphore, #tpu.memory_space<semaphore_mem>>) attributes {dimension_semantics = [#tpu.dimension_semantics<core_parallel>, #tpu.dimension_semantics<subcore_parallel>], iteration_bounds = array<i64: 2, 16>, scalar_prefetch = 0 : i64, scratch_operands = 7 : i64, tpu.core_type = #tpu.core_type<sc_vector_subcore>, window_params = [{transform_indices = #map}, {transform_indices = #map1}, {transform_indices = #map2}]} {
    %mul3A = arith.constant 625 : i32
    %mul3A_0 = arith.muli %arg1, %mul3A : i32
    "tpu.region"() ({
      %run_scoped3A = tpu.sem_alloc : memref<!tpu.dma_semaphore, #tpu.memory_space<semaphore_mem>>
      %dma_start3A = arith.constant 0 : i32
      %dma_start3A_9 = tpu.memref_slice %arg9[%mul3A_0, %dma_start3A] : memref<10000x144xf32, #tpu.memory_space<vmem_shared>> -> memref<625x144xf32, #tpu.memory_space<vmem_shared>>
      %dma_start3A_10 = arith.constant 10000 : i32
      %dma_start3A_11 = arith.constant 0 : i32
      %dma_start3A_12 = tpu.memref_slice %arg2[%dma_start3A_10, %dma_start3A_11] : memref<10752x144xf32, #tpu.memory_space<hbm>> -> memref<625x144xf32, #tpu.memory_space<hbm>>
      tpu.enqueue_dma source(%dma_start3A_12 : memref<625x144xf32, #tpu.memory_space<hbm>>) target(%dma_start3A_9 : memref<625x144xf32, #tpu.memory_space<vmem_shared>>) target_semaphore(%run_scoped3A : memref<!tpu.dma_semaphore, #tpu.memory_space<semaphore_mem>>)
      %dma_wait3A = arith.constant 0 : i32
      %dma_wait3A_13 = tpu.memref_slice %arg9[%mul3A_0, %dma_wait3A] : memref<10000x144xf32, #tpu.memory_space<vmem_shared>> -> memref<625x144xf32, #tpu.memory_space<vmem_shared>>
      %dma_wait3A_14 = arith.constant 10000 : i32
      %dma_wait3A_15 = arith.constant 0 : i32
      %dma_wait3A_16 = tpu.memref_slice %arg2[%dma_wait3A_14, %dma_wait3A_15] : memref<10752x144xf32, #tpu.memory_space<hbm>> -> memref<625x144xf32, #tpu.memory_space<hbm>>
      tpu.wait_dma2 semaphore(%run_scoped3A : memref<!tpu.dma_semaphore, #tpu.memory_space<semaphore_mem>>) src(%dma_wait3A_16 : memref<625x144xf32, #tpu.memory_space<hbm>>) dst(%dma_wait3A_13 : memref<625x144xf32, #tpu.memory_space<vmem_shared>>)
      tpu.yield
    }) : () -> ()
    %barrier3A = arith.constant 0 : index
    tpu.barrier barrier_id(%barrier3A)
    %eq3A = arith.constant 0 : i32
    %eq3A_1 = arith.cmpi eq, %arg0, %eq3A : i32
    %convert_element_type3A = arith.extui %eq3A_1 : i1 to i32
    %cond3A = arith.constant 0 : i32
    %cond3A_2 = arith.cmpi ne, %convert_element_type3A, %cond3A : i32
    scf.if %cond3A_2 {
      %mul3A_9 = arith.constant 243 : i32
      %mul3A_10 = arith.muli %arg1, %mul3A_9 : i32
      %mul3A_11 = arith.constant 48 : i32
      %mul3A_12 = arith.muli %mul3A_10, %mul3A_11 : i32
      "tpu.region"() ({
        %run_scoped3A = tpu.sem_alloc : memref<!tpu.dma_semaphore, #tpu.memory_space<semaphore_mem>>
        %dma_start3A_182 = arith.constant 0 : i32
        %dma_start3A_183 = tpu.memref_slice %arg5[%dma_start3A_182] : memref<11664xi32, #tpu.memory_space<vmem>> -> memref<11664xi32, #tpu.memory_space<vmem>>
        %dma_start3A_184 = tpu.memref_slice %arg3[%mul3A_12] : memref<320256xi32, #tpu.memory_space<hbm>> -> memref<11664xi32, #tpu.memory_space<hbm>>
        %dma_start3A_185 = arith.constant 0 : i32
        %dma_start3A_186 = tpu.memref_slice %arg5[%dma_start3A_185] : memref<11664xi32, #tpu.memory_space<vmem>> -> memref<11664xi32, #tpu.memory_space<vmem>>
        %dma_start3A_187 = tpu.memref_slice %arg3[%mul3A_12] : memref<320256xi32, #tpu.memory_space<hbm>> -> memref<11664xi32, #tpu.memory_space<hbm>>
        tpu.enqueue_dma source(%dma_start3A_187 : memref<11664xi32, #tpu.memory_space<hbm>>) target(%dma_start3A_186 : memref<11664xi32, #tpu.memory_space<vmem>>) target_semaphore(%run_scoped3A : memref<!tpu.dma_semaphore, #tpu.memory_space<semaphore_mem>>)
        %dma_wait3A_188 = arith.constant 0 : i32
        %dma_wait3A_189 = tpu.memref_slice %arg5[%dma_wait3A_188] : memref<11664xi32, #tpu.memory_space<vmem>> -> memref<11664xi32, #tpu.memory_space<vmem>>
        %dma_wait3A_190 = tpu.memref_slice %arg3[%mul3A_12] : memref<320256xi32, #tpu.memory_space<hbm>> -> memref<11664xi32, #tpu.memory_space<hbm>>
        %dma_wait3A_191 = arith.constant 0 : i32
        %dma_wait3A_192 = tpu.memref_slice %arg5[%dma_wait3A_191] : memref<11664xi32, #tpu.memory_space<vmem>> -> memref<11664xi32, #tpu.memory_space<vmem>>
        %dma_wait3A_193 = tpu.memref_slice %arg3[%mul3A_12] : memref<320256xi32, #tpu.memory_space<hbm>> -> memref<11664xi32, #tpu.memory_space<hbm>>
        tpu.wait_dma2 semaphore(%run_scoped3A : memref<!tpu.dma_semaphore, #tpu.memory_space<semaphore_mem>>) src(%dma_wait3A_193 : memref<11664xi32, #tpu.memory_space<hbm>>) dst(%dma_wait3A_192 : memref<11664xi32, #tpu.memory_space<vmem>>)
        tpu.yield
      }) : () -> ()
      %get3A = arith.constant 0 : index
      %get3A_13 = tpu.vector_load %arg5[%get3A] {strides = array<i32>} : memref<11664xi32, #tpu.memory_space<vmem>>, vector<16xi32>,
      %get3A_14 = vector.shape_cast %get3A_13 : vector<16xi32> to vector<16xi32>
      %shift_right_logical3A = arith.constant 14 : i32
      %shift_right_logical3A_15 = vector.broadcast %shift_right_logical3A : i32 to vector<16xi32>
      %shift_right_logical3A_16 = arith.shrui %get3A_14, %shift_right_logical3A_15 : vector<16xi32>
      %swap3A = arith.constant 0 : i32
      %swap3A_17 = arith.index_cast %swap3A : i32 to index
      %swap3A_18 = arith.constant 0 : index
      %swap3A_19 = tpu.vector_load %arg6[%swap3A_17, %swap3A_18] {strides = array<i32>} : memref<3x48xi32, #tpu.memory_space<vmem>>, vector<1x16xi32>,
      %swap3A_20 = vector.shape_cast %swap3A_19 : vector<1x16xi32> to vector<16xi32>
      %swap3A_21 = vector.shape_cast %shift_right_logical3A_16 : vector<16xi32> to vector<1x16xi32>
      tpu.vector_store %arg6[%swap3A_17, %swap3A_18], %swap3A_21 {strides = array<i32>} : memref<3x48xi32, #tpu.memory_space<vmem>>, vector<1x16xi32>,
      %and3A = arith.constant 16383 : i32
      %and3A_22 = vector.broadcast %and3A : i32 to vector<16xi32>
      %and3A_23 = arith.andi %get3A_14, %and3A_22 : vector<16xi32>
      %swap3A_24 = arith.constant 0 : i32
      %swap3A_25 = arith.index_cast %swap3A_24 : i32 to index
      %swap3A_26 = arith.constant 0 : index
      %swap3A_27 = tpu.vector_load %arg7[%swap3A_25, %swap3A_26] {strides = array<i32>} : memref<3x48xi32, #tpu.memory_space<vmem>>, vector<1x16xi32>,
      %swap3A_28 = vector.shape_cast %swap3A_27 : vector<1x16xi32> to vector<16xi32>
      %swap3A_29 = vector.shape_cast %and3A_23 : vector<16xi32> to vector<1x16xi32>
      tpu.vector_store %arg7[%swap3A_25, %swap3A_26], %swap3A_29 {strides = array<i32>} : memref<3x48xi32, #tpu.memory_space<vmem>>, vector<1x16xi32>,
      %get3A_30 = arith.constant 16 : index
      %get3A_31 = tpu.vector_load %arg5[%get3A_30] {strides = array<i32>} : memref<11664xi32, #tpu.memory_space<vmem>>, vector<16xi32>,
      %get3A_32 = vector.shape_cast %get3A_31 : vector<16xi32> to vector<16xi32>
      %shift_right_logical3A_33 = arith.constant 14 : i32
      %shift_right_logical3A_34 = vector.broadcast %shift_right_logical3A_33 : i32 to vector<16xi32>
      %shift_right_logical3A_35 = arith.shrui %get3A_32, %shift_right_logical3A_34 : vector<16xi32>
      %swap3A_36 = arith.constant 0 : i32
      %swap3A_37 = arith.index_cast %swap3A_36 : i32 to index
      %swap3A_38 = arith.constant 16 : index
      %swap3A_39 = tpu.vector_load %arg6[%swap3A_37, %swap3A_38] {strides = array<i32>} : memref<3x48xi32, #tpu.memory_space<vmem>>, vector<1x16xi32>,
      %swap3A_40 = vector.shape_cast %swap3A_39 : vector<1x16xi32> to vector<16xi32>
      %swap3A_41 = vector.shape_cast %shift_right_logical3A_35 : vector<16xi32> to vector<1x16xi32>
      tpu.vector_store %arg6[%swap3A_37, %swap3A_38], %swap3A_41 {strides = array<i32>} : memref<3x48xi32, #tpu.memory_space<vmem>>, vector<1x16xi32>,
      %and3A_42 = arith.constant 16383 : i32
      %and3A_43 = vector.broadcast %and3A_42 : i32 to vector<16xi32>
      %and3A_44 = arith.andi %get3A_32, %and3A_43 : vector<16xi32>
      %swap3A_45 = arith.constant 0 : i32
      %swap3A_46 = arith.index_cast %swap3A_45 : i32 to index
      %swap3A_47 = arith.constant 16 : index
      %swap3A_48 = tpu.vector_load %arg7[%swap3A_46, %swap3A_47] {strides = array<i32>} : memref<3x48xi32, #tpu.memory_space<vmem>>, vector<1x16xi32>,
      %swap3A_49 = vector.shape_cast %swap3A_48 : vector<1x16xi32> to vector<16xi32>
      %swap3A_50 = vector.shape_cast %and3A_44 : vector<16xi32> to vector<1x16xi32>
      tpu.vector_store %arg7[%swap3A_46, %swap3A_47], %swap3A_50 {strides = array<i32>} : memref<3x48xi32, #tpu.memory_space<vmem>>, vector<1x16xi32>,
      %get3A_51 = arith.constant 32 : index
      %get3A_52 = tpu.vector_load %arg5[%get3A_51] {strides = array<i32>} : memref<11664xi32, #tpu.memory_space<vmem>>, vector<16xi32>,
      %get3A_53 = vector.shape_cast %get3A_52 : vector<16xi32> to vector<16xi32>
      %shift_right_logical3A_54 = arith.constant 14 : i32
      %shift_right_logical3A_55 = vector.broadcast %shift_right_logical3A_54 : i32 to vector<16xi32>
      %shift_right_logical3A_56 = arith.shrui %get3A_53, %shift_right_logical3A_55 : vector<16xi32>
      %swap3A_57 = arith.constant 0 : i32
      %swap3A_58 = arith.index_cast %swap3A_57 : i32 to index
      %swap3A_59 = arith.constant 32 : index
      %swap3A_60 = tpu.vector_load %arg6[%swap3A_58, %swap3A_59] {strides = array<i32>} : memref<3x48xi32, #tpu.memory_space<vmem>>, vector<1x16xi32>,
      %swap3A_61 = vector.shape_cast %swap3A_60 : vector<1x16xi32> to vector<16xi32>
      %swap3A_62 = vector.shape_cast %shift_right_logical3A_56 : vector<16xi32> to vector<1x16xi32>
      tpu.vector_store %arg6[%swap3A_58, %swap3A_59], %swap3A_62 {strides = array<i32>} : memref<3x48xi32, #tpu.memory_space<vmem>>, vector<1x16xi32>,
      %and3A_63 = arith.constant 16383 : i32
      %and3A_64 = vector.broadcast %and3A_63 : i32 to vector<16xi32>
      %and3A_65 = arith.andi %get3A_53, %and3A_64 : vector<16xi32>
      %swap3A_66 = arith.constant 0 : i32
      %swap3A_67 = arith.index_cast %swap3A_66 : i32 to index
      %swap3A_68 = arith.constant 32 : index
      %swap3A_69 = tpu.vector_load %arg7[%swap3A_67, %swap3A_68] {strides = array<i32>} : memref<3x48xi32, #tpu.memory_space<vmem>>, vector<1x16xi32>,
      %swap3A_70 = vector.shape_cast %swap3A_69 : vector<1x16xi32> to vector<16xi32>
      %swap3A_71 = vector.shape_cast %and3A_65 : vector<16xi32> to vector<1x16xi32>
      tpu.vector_store %arg7[%swap3A_67, %swap3A_68], %swap3A_71 {strides = array<i32>} : memref<3x48xi32, #tpu.memory_space<vmem>>, vector<1x16xi32>,
      %dma_start3A = arith.constant 0 : i32
      %dma_start3A_72 = arith.constant 0 : i32
      %dma_start3A_73 = arith.constant 0 : i32
      %dma_start3A_74 = arith.constant 0 : i32
      %dma_start3A_75 = arith.constant 0 : i32
      %dma_start3A_76 = tpu.memref_slice %arg8[%dma_start3A_72, %dma_start3A_74, %dma_start3A_75] : memref<3x48x144xf32, #tpu.memory_space<vmem>> -> memref<1x48x144xf32, #tpu.memory_space<vmem>>
      %dma_start3A_77 = tpu.memref_squeeze %dma_start3A_76 : memref<1x48x144xf32, #tpu.memory_space<vmem>> -> memref<48x144xf32, #tpu.memory_space<vmem>>
      %dma_start3A_78 = arith.constant 0 : i32
      %dma_start3A_79 = tpu.memref_slice %arg6[%dma_start3A, %dma_start3A_78] : memref<3x48xi32, #tpu.memory_space<vmem>> -> memref<1x48xi32, #tpu.memory_space<vmem>>
      %dma_start3A_80 = tpu.memref_squeeze %dma_start3A_79 : memref<1x48xi32, #tpu.memory_space<vmem>> -> memref<48xi32, #tpu.memory_space<vmem>>
      %dma_start3A_81 = arith.constant 0 : i32
      %dma_start3A_82 = arith.constant 0 : i32
      %dma_start3A_83 = tpu.memref_slice %arg2[%dma_start3A_81, %dma_start3A_82] : memref<10752x144xf32, #tpu.memory_space<hbm>> -> memref<10752x144xf32, #tpu.memory_space<hbm>>
      %dma_start3A_84 = tpu.memref_slice %arg10[%dma_start3A_73] : memref<3x!tpu.dma_semaphore, #tpu.memory_space<semaphore_mem>> -> memref<1x!tpu.dma_semaphore, #tpu.memory_space<semaphore_mem>>
      %dma_start3A_85 = tpu.memref_squeeze %dma_start3A_84 : memref<1x!tpu.dma_semaphore, #tpu.memory_space<semaphore_mem>> -> memref<!tpu.dma_semaphore, #tpu.memory_space<semaphore_mem>>
      tpu.enqueue_indirect_dma source(%dma_start3A_83 : memref<10752x144xf32, #tpu.memory_space<hbm>>) target(%dma_start3A_77 : memref<48x144xf32, #tpu.memory_space<vmem>>) offsets(%dma_start3A_80 : memref<48xi32, #tpu.memory_space<vmem>>) semaphore(%dma_start3A_85 : memref<!tpu.dma_semaphore, #tpu.memory_space<semaphore_mem>>)
      %get3A_86 = arith.constant 48 : index
      %get3A_87 = tpu.vector_load %arg5[%get3A_86] {strides = array<i32>} : memref<11664xi32, #tpu.memory_space<vmem>>, vector<16xi32>,
      %get3A_88 = vector.shape_cast %get3A_87 : vector<16xi32> to vector<16xi32>
      %shift_right_logical3A_89 = arith.constant 14 : i32
      %shift_right_logical3A_90 = vector.broadcast %shift_right_logical3A_89 : i32 to vector<16xi32>
      %shift_right_logical3A_91 = arith.shrui %get3A_88, %shift_right_logical3A_90 : vector<16xi32>
      %swap3A_92 = arith.constant 1 : i32
      %swap3A_93 = arith.index_cast %swap3A_92 : i32 to index
      %swap3A_94 = arith.constant 0 : index
      %swap3A_95 = tpu.vector_load %arg6[%swap3A_93, %swap3A_94] {strides = array<i32>} : memref<3x48xi32, #tpu.memory_space<vmem>>, vector<1x16xi32>,
      %swap3A_96 = vector.shape_cast %swap3A_95 : vector<1x16xi32> to vector<16xi32>
      %swap3A_97 = vector.shape_cast %shift_right_logical3A_91 : vector<16xi32> to vector<1x16xi32>
      tpu.vector_store %arg6[%swap3A_93, %swap3A_94], %swap3A_97 {strides = array<i32>} : memref<3x48xi32, #tpu.memory_space<vmem>>, vector<1x16xi32>,
      %and3A_98 = arith.constant 16383 : i32
      %and3A_99 = vector.broadcast %and3A_98 : i32 to vector<16xi32>
      %and3A_100 = arith.andi %get3A_88, %and3A_99 : vector<16xi32>
      %swap3A_101 = arith.constant 1 : i32
      %swap3A_102 = arith.index_cast %swap3A_101 : i32 to index
      %swap3A_103 = arith.constant 0 : index
      %swap3A_104 = tpu.vector_load %arg7[%swap3A_102, %swap3A_103] {strides = array<i32>} : memref<3x48xi32, #tpu.memory_space<vmem>>, vector<1x16xi32>,
      %swap3A_105 = vector.shape_cast %swap3A_104 : vector<1x16xi32> to vector<16xi32>
      %swap3A_106 = vector.shape_cast %and3A_100 : vector<16xi32> to vector<1x16xi32>
      tpu.vector_store %arg7[%swap3A_102, %swap3A_103], %swap3A_106 {strides = array<i32>} : memref<3x48xi32, #tpu.memory_space<vmem>>, vector<1x16xi32>,
      %get3A_107 = arith.constant 64 : index
      %get3A_108 = tpu.vector_load %arg5[%get3A_107] {strides = array<i32>} : memref<11664xi32, #tpu.memory_space<vmem>>, vector<16xi32>,
      %get3A_109 = vector.shape_cast %get3A_108 : vector<16xi32> to vector<16xi32>
      %shift_right_logical3A_110 = arith.constant 14 : i32
      %shift_right_logical3A_111 = vector.broadcast %shift_right_logical3A_110 : i32 to vector<16xi32>
      %shift_right_logical3A_112 = arith.shrui %get3A_109, %shift_right_logical3A_111 : vector<16xi32>
      %swap3A_113 = arith.constant 1 : i32
      %swap3A_114 = arith.index_cast %swap3A_113 : i32 to index
      %swap3A_115 = arith.constant 16 : index
      %swap3A_116 = tpu.vector_load %arg6[%swap3A_114, %swap3A_115] {strides = array<i32>} : memref<3x48xi32, #tpu.memory_space<vmem>>, vector<1x16xi32>,
      %swap3A_117 = vector.shape_cast %swap3A_116 : vector<1x16xi32> to vector<16xi32>
      %swap3A_118 = vector.shape_cast %shift_right_logical3A_112 : vector<16xi32> to vector<1x16xi32>
      tpu.vector_store %arg6[%swap3A_114, %swap3A_115], %swap3A_118 {strides = array<i32>} : memref<3x48xi32, #tpu.memory_space<vmem>>, vector<1x16xi32>,
      %and3A_119 = arith.constant 16383 : i32
      %and3A_120 = vector.broadcast %and3A_119 : i32 to vector<16xi32>
      %and3A_121 = arith.andi %get3A_109, %and3A_120 : vector<16xi32>
      %swap3A_122 = arith.constant 1 : i32
      %swap3A_123 = arith.index_cast %swap3A_122 : i32 to index
      %swap3A_124 = arith.constant 16 : index
      %swap3A_125 = tpu.vector_load %arg7[%swap3A_123, %swap3A_124] {strides = array<i32>} : memref<3x48xi32, #tpu.memory_space<vmem>>, vector<1x16xi32>,
      %swap3A_126 = vector.shape_cast %swap3A_125 : vector<1x16xi32> to vector<16xi32>
      %swap3A_127 = vector.shape_cast %and3A_121 : vector<16xi32> to vector<1x16xi32>
      tpu.vector_store %arg7[%swap3A_123, %swap3A_124], %swap3A_127 {strides = array<i32>} : memref<3x48xi32, #tpu.memory_space<vmem>>, vector<1x16xi32>,
      %get3A_128 = arith.constant 80 : index
      %get3A_129 = tpu.vector_load %arg5[%get3A_128] {strides = array<i32>} : memref<11664xi32, #tpu.memory_space<vmem>>, vector<16xi32>,
      %get3A_130 = vector.shape_cast %get3A_129 : vector<16xi32> to vector<16xi32>
      %shift_right_logical3A_131 = arith.constant 14 : i32
      %shift_right_logical3A_132 = vector.broadcast %shift_right_logical3A_131 : i32 to vector<16xi32>
      %shift_right_logical3A_133 = arith.shrui %get3A_130, %shift_right_logical3A_132 : vector<16xi32>
      %swap3A_134 = arith.constant 1 : i32
      %swap3A_135 = arith.index_cast %swap3A_134 : i32 to index
      %swap3A_136 = arith.constant 32 : index
      %swap3A_137 = tpu.vector_load %arg6[%swap3A_135, %swap3A_136] {strides = array<i32>} : memref<3x48xi32, #tpu.memory_space<vmem>>, vector<1x16xi32>,
      %swap3A_138 = vector.shape_cast %swap3A_137 : vector<1x16xi32> to vector<16xi32>
      %swap3A_139 = vector.shape_cast %shift_right_logical3A_133 : vector<16xi32> to vector<1x16xi32>
      tpu.vector_store %arg6[%swap3A_135, %swap3A_136], %swap3A_139 {strides = array<i32>} : memref<3x48xi32, #tpu.memory_space<vmem>>, vector<1x16xi32>,
      %and3A_140 = arith.constant 16383 : i32
      %and3A_141 = vector.broadcast %and3A_140 : i32 to vector<16xi32>
      %and3A_142 = arith.andi %get3A_130, %and3A_141 : vector<16xi32>
      %swap3A_143 = arith.constant 1 : i32
      %swap3A_144 = arith.index_cast %swap3A_143 : i32 to index
      %swap3A_145 = arith.constant 32 : index
      %swap3A_146 = tpu.vector_load %arg7[%swap3A_144, %swap3A_145] {strides = array<i32>} : memref<3x48xi32, #tpu.memory_space<vmem>>, vector<1x16xi32>,
      %swap3A_147 = vector.shape_cast %swap3A_146 : vector<1x16xi32> to vector<16xi32>
      %swap3A_148 = vector.shape_cast %and3A_142 : vector<16xi32> to vector<1x16xi32>
      tpu.vector_store %arg7[%swap3A_144, %swap3A_145], %swap3A_148 {strides = array<i32>} : memref<3x48xi32, #tpu.memory_space<vmem>>, vector<1x16xi32>,
      %dma_start3A_149 = arith.constant 1 : i32
      %dma_start3A_150 = arith.constant 1 : i32
      %dma_start3A_151 = arith.constant 1 : i32
      %dma_start3A_152 = arith.constant 0 : i32
      %dma_start3A_153 = arith.constant 0 : i32
      %dma_start3A_154 = tpu.memref_slice %arg8[%dma_start3A_150, %dma_start3A_152, %dma_start3A_153] : memref<3x48x144xf32, #tpu.memory_space<vmem>> -> memref<1x48x144xf32, #tpu.memory_space<vmem>>
      %dma_start3A_155 = tpu.memref_squeeze %dma_start3A_154 : memref<1x48x144xf32, #tpu.memory_space<vmem>> -> memref<48x144xf32, #tpu.memory_space<vmem>>
      %dma_start3A_156 = arith.constant 0 : i32
      %dma_start3A_157 = tpu.memref_slice %arg6[%dma_start3A_149, %dma_start3A_156] : memref<3x48xi32, #tpu.memory_space<vmem>> -> memref<1x48xi32, #tpu.memory_space<vmem>>
      %dma_start3A_158 = tpu.memref_squeeze %dma_start3A_157 : memref<1x48xi32, #tpu.memory_space<vmem>> -> memref<48xi32, #tpu.memory_space<vmem>>
      %dma_start3A_159 = arith.constant 0 : i32
      %dma_start3A_160 = arith.constant 0 : i32
      %dma_start3A_161 = tpu.memref_slice %arg2[%dma_start3A_159, %dma_start3A_160] : memref<10752x144xf32, #tpu.memory_space<hbm>> -> memref<10752x144xf32, #tpu.memory_space<hbm>>
      %dma_start3A_162 = tpu.memref_slice %arg10[%dma_start3A_151] : memref<3x!tpu.dma_semaphore, #tpu.memory_space<semaphore_mem>> -> memref<1x!tpu.dma_semaphore, #tpu.memory_space<semaphore_mem>>
      %dma_start3A_163 = tpu.memref_squeeze %dma_start3A_162 : memref<1x!tpu.dma_semaphore, #tpu.memory_space<semaphore_mem>> -> memref<!tpu.dma_semaphore, #tpu.memory_space<semaphore_mem>>
      tpu.enqueue_indirect_dma source(%dma_start3A_161 : memref<10752x144xf32, #tpu.memory_space<hbm>>) target(%dma_start3A_155 : memref<48x144xf32, #tpu.memory_space<vmem>>) offsets(%dma_start3A_158 : memref<48xi32, #tpu.memory_space<vmem>>) semaphore(%dma_start3A_163 : memref<!tpu.dma_semaphore, #tpu.memory_space<semaphore_mem>>)
      %scan3A = arith.constant 0 : i32
      %scan3A_164 = arith.constant 81 : i32
      %scan3A_165 = arith.addi %scan3A, %scan3A_164 : i32
      %scan3A_166 = arith.constant 1 : i32
      scf.for %scan3A_182 = %scan3A to %scan3A_165 step %scan3A_166  : i32 {
        %mul3A_183 = arith.constant 3 : i32
        %mul3A_184 = arith.muli %mul3A_183, %scan3A_182 : i32
        %add3A = arith.constant 0 : i32
        %add3A_185 = arith.addi %mul3A_184, %add3A : i32
        %ge3A = arith.constant 1 : i32
        %ge3A_186 = arith.cmpi sge, %add3A_185, %ge3A : i32
        %convert_element_type3A_187 = arith.extui %ge3A_186 : i1 to i32
        %cond3A_188 = arith.constant 0 : i32
        %cond3A_189 = arith.cmpi ne, %convert_element_type3A_187, %cond3A_188 : i32
        scf.if %cond3A_189 {
          %sub3A = arith.constant 1 : i32
          %sub3A_318 = arith.subi %add3A_185, %sub3A : i32
          %dma_wait3A_319 = arith.constant 2 : i32
          %dma_wait3A_320 = arith.constant 2 : i32
          %dma_wait3A_321 = arith.constant 2 : i32
          %dma_wait3A_322 = arith.constant 0 : i32
          %dma_wait3A_323 = arith.constant 0 : i32
          %dma_wait3A_324 = tpu.memref_slice %arg8[%dma_wait3A_319, %dma_wait3A_322, %dma_wait3A_323] : memref<3x48x144xf32, #tpu.memory_space<vmem>> -> memref<1x48x144xf32, #tpu.memory_space<vmem>>
          %dma_wait3A_325 = tpu.memref_squeeze %dma_wait3A_324 : memref<1x48x144xf32, #tpu.memory_space<vmem>> -> memref<48x144xf32, #tpu.memory_space<vmem>>
          %dma_wait3A_326 = arith.constant 0 : i32
          %dma_wait3A_327 = tpu.memref_slice %arg7[%dma_wait3A_320, %dma_wait3A_326] : memref<3x48xi32, #tpu.memory_space<vmem>> -> memref<1x48xi32, #tpu.memory_space<vmem>>
          %dma_wait3A_328 = tpu.memref_squeeze %dma_wait3A_327 : memref<1x48xi32, #tpu.memory_space<vmem>> -> memref<48xi32, #tpu.memory_space<vmem>>
          %dma_wait3A_329 = arith.constant 0 : i32
          %dma_wait3A_330 = arith.constant 0 : i32
          %dma_wait3A_331 = tpu.memref_slice %arg9[%dma_wait3A_329, %dma_wait3A_330] : memref<10000x144xf32, #tpu.memory_space<vmem_shared>> -> memref<10000x144xf32, #tpu.memory_space<vmem_shared>>
          %dma_wait3A_332 = tpu.memref_slice %arg11[%dma_wait3A_321] : memref<3x!tpu.dma_semaphore, #tpu.memory_space<semaphore_mem>> -> memref<1x!tpu.dma_semaphore, #tpu.memory_space<semaphore_mem>>
          %dma_wait3A_333 = tpu.memref_squeeze %dma_wait3A_332 : memref<1x!tpu.dma_semaphore, #tpu.memory_space<semaphore_mem>> -> memref<!tpu.dma_semaphore, #tpu.memory_space<semaphore_mem>>
          tpu.wait_indirect_dma semaphore(%dma_wait3A_333 : memref<!tpu.dma_semaphore, #tpu.memory_space<semaphore_mem>>) src(%dma_wait3A_325 : memref<48x144xf32, #tpu.memory_space<vmem>>) dst(%dma_wait3A_331 : memref<10000x144xf32, #tpu.memory_space<vmem_shared>>)
        } else {
        }
        %add3A_190 = arith.constant 2 : i32
        %add3A_191 = arith.addi %add3A_185, %add3A_190 : i32
        %lt3A = arith.constant 243 : i32
        %lt3A_192 = arith.cmpi slt, %add3A_191, %lt3A : i32
        %convert_element_type3A_193 = arith.extui %lt3A_192 : i1 to i32
        %cond3A_194 = arith.constant 0 : i32
        %cond3A_195 = arith.cmpi ne, %convert_element_type3A_193, %cond3A_194 : i32
        scf.if %cond3A_195 {
          %add3A_318 = arith.constant 2 : i32
          %add3A_319 = arith.addi %add3A_185, %add3A_318 : i32
          %mul3A_320 = arith.constant 48 : i32
          %mul3A_321 = arith.muli %add3A_319, %mul3A_320 : i32
          %add3A_322 = arith.constant 0 : i32
          %add3A_323 = arith.addi %mul3A_321, %add3A_322 : i32
          %get3A_324 = arith.index_cast %add3A_323 : i32 to index
          %get3A_325 = tpu.vector_load %arg5[%get3A_324] {strides = array<i32>} : memref<11664xi32, #tpu.memory_space<vmem>>, vector<16xi32>,
          %get3A_326 = vector.shape_cast %get3A_325 : vector<16xi32> to vector<16xi32>
          %shift_right_logical3A_327 = arith.constant 14 : i32
          %shift_right_logical3A_328 = vector.broadcast %shift_right_logical3A_327 : i32 to vector<16xi32>
          %shift_right_logical3A_329 = arith.shrui %get3A_326, %shift_right_logical3A_328 : vector<16xi32>
          %swap3A_330 = arith.constant 2 : i32
          %swap3A_331 = arith.index_cast %swap3A_330 : i32 to index
          %swap3A_332 = arith.constant 0 : index
          %swap3A_333 = tpu.vector_load %arg6[%swap3A_331, %swap3A_332] {strides = array<i32>} : memref<3x48xi32, #tpu.memory_space<vmem>>, vector<1x16xi32>,
          %swap3A_334 = vector.shape_cast %swap3A_333 : vector<1x16xi32> to vector<16xi32>
          %swap3A_335 = vector.shape_cast %shift_right_logical3A_329 : vector<16xi32> to vector<1x16xi32>
          tpu.vector_store %arg6[%swap3A_331, %swap3A_332], %swap3A_335 {strides = array<i32>} : memref<3x48xi32, #tpu.memory_space<vmem>>, vector<1x16xi32>,
          %and3A_336 = arith.constant 16383 : i32
          %and3A_337 = vector.broadcast %and3A_336 : i32 to vector<16xi32>
          %and3A_338 = arith.andi %get3A_326, %and3A_337 : vector<16xi32>
          %swap3A_339 = arith.constant 2 : i32
          %swap3A_340 = arith.index_cast %swap3A_339 : i32 to index
          %swap3A_341 = arith.constant 0 : index
          %swap3A_342 = tpu.vector_load %arg7[%swap3A_340, %swap3A_341] {strides = array<i32>} : memref<3x48xi32, #tpu.memory_space<vmem>>, vector<1x16xi32>,
          %swap3A_343 = vector.shape_cast %swap3A_342 : vector<1x16xi32> to vector<16xi32>
          %swap3A_344 = vector.shape_cast %and3A_338 : vector<16xi32> to vector<1x16xi32>
          tpu.vector_store %arg7[%swap3A_340, %swap3A_341], %swap3A_344 {strides = array<i32>} : memref<3x48xi32, #tpu.memory_space<vmem>>, vector<1x16xi32>,
          %mul3A_345 = arith.constant 48 : i32
          %mul3A_346 = arith.muli %add3A_319, %mul3A_345 : i32
          %add3A_347 = arith.constant 16 : i32
          %add3A_348 = arith.addi %mul3A_346, %add3A_347 : i32
          %get3A_349 = arith.index_cast %add3A_348 : i32 to index
          %get3A_350 = tpu.vector_load %arg5[%get3A_349] {strides = array<i32>} : memref<11664xi32, #tpu.memory_space<vmem>>, vector<16xi32>,
          %get3A_351 = vector.shape_cast %get3A_350 : vector<16xi32> to vector<16xi32>
          %shift_right_logical3A_352 = arith.constant 14 : i32
          %shift_right_logical3A_353 = vector.broadcast %shift_right_logical3A_352 : i32 to vector<16xi32>
          %shift_right_logical3A_354 = arith.shrui %get3A_351, %shift_right_logical3A_353 : vector<16xi32>
          %swap3A_355 = arith.constant 2 : i32
          %swap3A_356 = arith.index_cast %swap3A_355 : i32 to index
          %swap3A_357 = arith.constant 16 : index
          %swap3A_358 = tpu.vector_load %arg6[%swap3A_356, %swap3A_357] {strides = array<i32>} : memref<3x48xi32, #tpu.memory_space<vmem>>, vector<1x16xi32>,
          %swap3A_359 = vector.shape_cast %swap3A_358 : vector<1x16xi32> to vector<16xi32>
          %swap3A_360 = vector.shape_cast %shift_right_logical3A_354 : vector<16xi32> to vector<1x16xi32>
          tpu.vector_store %arg6[%swap3A_356, %swap3A_357], %swap3A_360 {strides = array<i32>} : memref<3x48xi32, #tpu.memory_space<vmem>>, vector<1x16xi32>,
          %and3A_361 = arith.constant 16383 : i32
          %and3A_362 = vector.broadcast %and3A_361 : i32 to vector<16xi32>
          %and3A_363 = arith.andi %get3A_351, %and3A_362 : vector<16xi32>
          %swap3A_364 = arith.constant 2 : i32
          %swap3A_365 = arith.index_cast %swap3A_364 : i32 to index
          %swap3A_366 = arith.constant 16 : index
          %swap3A_367 = tpu.vector_load %arg7[%swap3A_365, %swap3A_366] {strides = array<i32>} : memref<3x48xi32, #tpu.memory_space<vmem>>, vector<1x16xi32>,
          %swap3A_368 = vector.shape_cast %swap3A_367 : vector<1x16xi32> to vector<16xi32>
          %swap3A_369 = vector.shape_cast %and3A_363 : vector<16xi32> to vector<1x16xi32>
          tpu.vector_store %arg7[%swap3A_365, %swap3A_366], %swap3A_369 {strides = array<i32>} : memref<3x48xi32, #tpu.memory_space<vmem>>, vector<1x16xi32>,
          %mul3A_370 = arith.constant 48 : i32
          %mul3A_371 = arith.muli %add3A_319, %mul3A_370 : i32
          %add3A_372 = arith.constant 32 : i32
          %add3A_373 = arith.addi %mul3A_371, %add3A_372 : i32
          %get3A_374 = arith.index_cast %add3A_373 : i32 to index
          %get3A_375 = tpu.vector_load %arg5[%get3A_374] {strides = array<i32>} : memref<11664xi32, #tpu.memory_space<vmem>>, vector<16xi32>,
          %get3A_376 = vector.shape_cast %get3A_375 : vector<16xi32> to vector<16xi32>
          %shift_right_logical3A_377 = arith.constant 14 : i32
          %shift_right_logical3A_378 = vector.broadcast %shift_right_logical3A_377 : i32 to vector<16xi32>
          %shift_right_logical3A_379 = arith.shrui %get3A_376, %shift_right_logical3A_378 : vector<16xi32>
          %swap3A_380 = arith.constant 2 : i32
          %swap3A_381 = arith.index_cast %swap3A_380 : i32 to index
          %swap3A_382 = arith.constant 32 : index
          %swap3A_383 = tpu.vector_load %arg6[%swap3A_381, %swap3A_382] {strides = array<i32>} : memref<3x48xi32, #tpu.memory_space<vmem>>, vector<1x16xi32>,
          %swap3A_384 = vector.shape_cast %swap3A_383 : vector<1x16xi32> to vector<16xi32>
          %swap3A_385 = vector.shape_cast %shift_right_logical3A_379 : vector<16xi32> to vector<1x16xi32>
          tpu.vector_store %arg6[%swap3A_381, %swap3A_382], %swap3A_385 {strides = array<i32>} : memref<3x48xi32, #tpu.memory_space<vmem>>, vector<1x16xi32>,
          %and3A_386 = arith.constant 16383 : i32
          %and3A_387 = vector.broadcast %and3A_386 : i32 to vector<16xi32>
          %and3A_388 = arith.andi %get3A_376, %and3A_387 : vector<16xi32>
          %swap3A_389 = arith.constant 2 : i32
          %swap3A_390 = arith.index_cast %swap3A_389 : i32 to index
          %swap3A_391 = arith.constant 32 : index
          %swap3A_392 = tpu.vector_load %arg7[%swap3A_390, %swap3A_391] {strides = array<i32>} : memref<3x48xi32, #tpu.memory_space<vmem>>, vector<1x16xi32>,
          %swap3A_393 = vector.shape_cast %swap3A_392 : vector<1x16xi32> to vector<16xi32>
          %swap3A_394 = vector.shape_cast %and3A_388 : vector<16xi32> to vector<1x16xi32>
          tpu.vector_store %arg7[%swap3A_390, %swap3A_391], %swap3A_394 {strides = array<i32>} : memref<3x48xi32, #tpu.memory_space<vmem>>, vector<1x16xi32>,
          %dma_start3A_395 = arith.constant 2 : i32
          %dma_start3A_396 = arith.constant 2 : i32
          %dma_start3A_397 = arith.constant 2 : i32
          %dma_start3A_398 = arith.constant 0 : i32
          %dma_start3A_399 = arith.constant 0 : i32
          %dma_start3A_400 = tpu.memref_slice %arg8[%dma_start3A_396, %dma_start3A_398, %dma_start3A_399] : memref<3x48x144xf32, #tpu.memory_space<vmem>> -> memref<1x48x144xf32, #tpu.memory_space<vmem>>
          %dma_start3A_401 = tpu.memref_squeeze %dma_start3A_400 : memref<1x48x144xf32, #tpu.memory_space<vmem>> -> memref<48x144xf32, #tpu.memory_space<vmem>>
          %dma_start3A_402 = arith.constant 0 : i32
          %dma_start3A_403 = tpu.memref_slice %arg6[%dma_start3A_395, %dma_start3A_402] : memref<3x48xi32, #tpu.memory_space<vmem>> -> memref<1x48xi32, #tpu.memory_space<vmem>>
          %dma_start3A_404 = tpu.memref_squeeze %dma_start3A_403 : memref<1x48xi32, #tpu.memory_space<vmem>> -> memref<48xi32, #tpu.memory_space<vmem>>
          %dma_start3A_405 = arith.constant 0 : i32
          %dma_start3A_406 = arith.constant 0 : i32
          %dma_start3A_407 = tpu.memref_slice %arg2[%dma_start3A_405, %dma_start3A_406] : memref<10752x144xf32, #tpu.memory_space<hbm>> -> memref<10752x144xf32, #tpu.memory_space<hbm>>
          %dma_start3A_408 = tpu.memref_slice %arg10[%dma_start3A_397] : memref<3x!tpu.dma_semaphore, #tpu.memory_space<semaphore_mem>> -> memref<1x!tpu.dma_semaphore, #tpu.memory_space<semaphore_mem>>
          %dma_start3A_409 = tpu.memref_squeeze %dma_start3A_408 : memref<1x!tpu.dma_semaphore, #tpu.memory_space<semaphore_mem>> -> memref<!tpu.dma_semaphore, #tpu.memory_space<semaphore_mem>>
          tpu.enqueue_indirect_dma source(%dma_start3A_407 : memref<10752x144xf32, #tpu.memory_space<hbm>>) target(%dma_start3A_401 : memref<48x144xf32, #tpu.memory_space<vmem>>) offsets(%dma_start3A_404 : memref<48xi32, #tpu.memory_space<vmem>>) semaphore(%dma_start3A_409 : memref<!tpu.dma_semaphore, #tpu.memory_space<semaphore_mem>>)
        } else {
        }
        %dma_wait3A_196 = arith.constant 0 : i32
        %dma_wait3A_197 = arith.constant 0 : i32
        %dma_wait3A_198 = arith.constant 0 : i32
        %dma_wait3A_199 = arith.constant 0 : i32
        %dma_wait3A_200 = arith.constant 0 : i32
        %dma_wait3A_201 = tpu.memref_slice %arg8[%dma_wait3A_197, %dma_wait3A_199, %dma_wait3A_200] : memref<3x48x144xf32, #tpu.memory_space<vmem>> -> memref<1x48x144xf32, #tpu.memory_space<vmem>>
        %dma_wait3A_202 = tpu.memref_squeeze %dma_wait3A_201 : memref<1x48x144xf32, #tpu.memory_space<vmem>> -> memref<48x144xf32, #tpu.memory_space<vmem>>
        %dma_wait3A_203 = arith.constant 0 : i32
        %dma_wait3A_204 = tpu.memref_slice %arg6[%dma_wait3A_196, %dma_wait3A_203] : memref<3x48xi32, #tpu.memory_space<vmem>> -> memref<1x48xi32, #tpu.memory_space<vmem>>
        %dma_wait3A_205 = tpu.memref_squeeze %dma_wait3A_204 : memref<1x48xi32, #tpu.memory_space<vmem>> -> memref<48xi32, #tpu.memory_space<vmem>>
        %dma_wait3A_206 = arith.constant 0 : i32
        %dma_wait3A_207 = arith.constant 0 : i32
        %dma_wait3A_208 = tpu.memref_slice %arg2[%dma_wait3A_206, %dma_wait3A_207] : memref<10752x144xf32, #tpu.memory_space<hbm>> -> memref<10752x144xf32, #tpu.memory_space<hbm>>
        %dma_wait3A_209 = tpu.memref_slice %arg10[%dma_wait3A_198] : memref<3x!tpu.dma_semaphore, #tpu.memory_space<semaphore_mem>> -> memref<1x!tpu.dma_semaphore, #tpu.memory_space<semaphore_mem>>
        %dma_wait3A_210 = tpu.memref_squeeze %dma_wait3A_209 : memref<1x!tpu.dma_semaphore, #tpu.memory_space<semaphore_mem>> -> memref<!tpu.dma_semaphore, #tpu.memory_space<semaphore_mem>>
        tpu.wait_indirect_dma semaphore(%dma_wait3A_210 : memref<!tpu.dma_semaphore, #tpu.memory_space<semaphore_mem>>) src(%dma_wait3A_208 : memref<10752x144xf32, #tpu.memory_space<hbm>>) dst(%dma_wait3A_202 : memref<48x144xf32, #tpu.memory_space<vmem>>)
        %dma_start3A_211 = arith.constant 0 : i32
        %dma_start3A_212 = arith.constant 0 : i32
        %dma_start3A_213 = arith.constant 0 : i32
        %dma_start3A_214 = arith.constant 0 : i32
        %dma_start3A_215 = arith.constant 0 : i32
        %dma_start3A_216 = tpu.memref_slice %arg8[%dma_start3A_211, %dma_start3A_214, %dma_start3A_215] : memref<3x48x144xf32, #tpu.memory_space<vmem>> -> memref<1x48x144xf32, #tpu.memory_space<vmem>>
        %dma_start3A_217 = tpu.memref_squeeze %dma_start3A_216 : memref<1x48x144xf32, #tpu.memory_space<vmem>> -> memref<48x144xf32, #tpu.memory_space<vmem>>
        %dma_start3A_218 = arith.constant 0 : i32
        %dma_start3A_219 = tpu.memref_slice %arg7[%dma_start3A_212, %dma_start3A_218] : memref<3x48xi32, #tpu.memory_space<vmem>> -> memref<1x48xi32, #tpu.memory_space<vmem>>
        %dma_start3A_220 = tpu.memref_squeeze %dma_start3A_219 : memref<1x48xi32, #tpu.memory_space<vmem>> -> memref<48xi32, #tpu.memory_space<vmem>>
        %dma_start3A_221 = arith.constant 0 : i32
        %dma_start3A_222 = arith.constant 0 : i32
        %dma_start3A_223 = tpu.memref_slice %arg9[%dma_start3A_221, %dma_start3A_222] : memref<10000x144xf32, #tpu.memory_space<vmem_shared>> -> memref<10000x144xf32, #tpu.memory_space<vmem_shared>>
        %dma_start3A_224 = tpu.memref_slice %arg11[%dma_start3A_213] : memref<3x!tpu.dma_semaphore, #tpu.memory_space<semaphore_mem>> -> memref<1x!tpu.dma_semaphore, #tpu.memory_space<semaphore_mem>>
        %dma_start3A_225 = tpu.memref_squeeze %dma_start3A_224 : memref<1x!tpu.dma_semaphore, #tpu.memory_space<semaphore_mem>> -> memref<!tpu.dma_semaphore, #tpu.memory_space<semaphore_mem>>
        tpu.enqueue_indirect_dma source(%dma_start3A_217 : memref<48x144xf32, #tpu.memory_space<vmem>>) target(%dma_start3A_223 : memref<10000x144xf32, #tpu.memory_space<vmem_shared>>) offsets(%dma_start3A_220 : memref<48xi32, #tpu.memory_space<vmem>>) semaphore(%dma_start3A_225 : memref<!tpu.dma_semaphore, #tpu.memory_space<semaphore_mem>>) {add = true}
        %mul3A_226 = arith.constant 3 : i32
        %mul3A_227 = arith.muli %mul3A_226, %scan3A_182 : i32
        %add3A_228 = arith.constant 1 : i32
        %add3A_229 = arith.addi %mul3A_227, %add3A_228 : i32
        %ge3A_230 = arith.constant 1 : i32
        %ge3A_231 = arith.cmpi sge, %add3A_229, %ge3A_230 : i32
        %convert_element_type3A_232 = arith.extui %ge3A_231 : i1 to i32
        %cond3A_233 = arith.constant 0 : i32
        %cond3A_234 = arith.cmpi ne, %convert_element_type3A_232, %cond3A_233 : i32
        scf.if %cond3A_234 {
          %sub3A = arith.constant 1 : i32
          %sub3A_318 = arith.subi %add3A_229, %sub3A : i32
          %dma_wait3A_319 = arith.constant 0 : i32
          %dma_wait3A_320 = arith.constant 0 : i32
          %dma_wait3A_321 = arith.constant 0 : i32
          %dma_wait3A_322 = arith.constant 0 : i32
          %dma_wait3A_323 = arith.constant 0 : i32
          %dma_wait3A_324 = tpu.memref_slice %arg8[%dma_wait3A_319, %dma_wait3A_322, %dma_wait3A_323] : memref<3x48x144xf32, #tpu.memory_space<vmem>> -> memref<1x48x144xf32, #tpu.memory_space<vmem>>
          %dma_wait3A_325 = tpu.memref_squeeze %dma_wait3A_324 : memref<1x48x144xf32, #tpu.memory_space<vmem>> -> memref<48x144xf32, #tpu.memory_space<vmem>>
          %dma_wait3A_326 = arith.constant 0 : i32
          %dma_wait3A_327 = tpu.memref_slice %arg7[%dma_wait3A_320, %dma_wait3A_326] : memref<3x48xi32, #tpu.memory_space<vmem>> -> memref<1x48xi32, #tpu.memory_space<vmem>>
          %dma_wait3A_328 = tpu.memref_squeeze %dma_wait3A_327 : memref<1x48xi32, #tpu.memory_space<vmem>> -> memref<48xi32, #tpu.memory_space<vmem>>
          %dma_wait3A_329 = arith.constant 0 : i32
          %dma_wait3A_330 = arith.constant 0 : i32
          %dma_wait3A_331 = tpu.memref_slice %arg9[%dma_wait3A_329, %dma_wait3A_330] : memref<10000x144xf32, #tpu.memory_space<vmem_shared>> -> memref<10000x144xf32, #tpu.memory_space<vmem_shared>>
          %dma_wait3A_332 = tpu.memref_slice %arg11[%dma_wait3A_321] : memref<3x!tpu.dma_semaphore, #tpu.memory_space<semaphore_mem>> -> memref<1x!tpu.dma_semaphore, #tpu.memory_space<semaphore_mem>>
          %dma_wait3A_333 = tpu.memref_squeeze %dma_wait3A_332 : memref<1x!tpu.dma_semaphore, #tpu.memory_space<semaphore_mem>> -> memref<!tpu.dma_semaphore, #tpu.memory_space<semaphore_mem>>
          tpu.wait_indirect_dma semaphore(%dma_wait3A_333 : memref<!tpu.dma_semaphore, #tpu.memory_space<semaphore_mem>>) src(%dma_wait3A_325 : memref<48x144xf32, #tpu.memory_space<vmem>>) dst(%dma_wait3A_331 : memref<10000x144xf32, #tpu.memory_space<vmem_shared>>)
        } else {
        }
        %add3A_235 = arith.constant 2 : i32
        %add3A_236 = arith.addi %add3A_229, %add3A_235 : i32
        %lt3A_237 = arith.constant 243 : i32
        %lt3A_238 = arith.cmpi slt, %add3A_236, %lt3A_237 : i32
        %convert_element_type3A_239 = arith.extui %lt3A_238 : i1 to i32
        %cond3A_240 = arith.constant 0 : i32
        %cond3A_241 = arith.cmpi ne, %convert_element_type3A_239, %cond3A_240 : i32
        scf.if %cond3A_241 {
          %add3A_318 = arith.constant 2 : i32
          %add3A_319 = arith.addi %add3A_229, %add3A_318 : i32
          %mul3A_320 = arith.constant 48 : i32
          %mul3A_321 = arith.muli %add3A_319, %mul3A_320 : i32
          %add3A_322 = arith.constant 0 : i32
          %add3A_323 = arith.addi %mul3A_321, %add3A_322 : i32
          %get3A_324 = arith.index_cast %add3A_323 : i32 to index
          %get3A_325 = tpu.vector_load %arg5[%get3A_324] {strides = array<i32>} : memref<11664xi32, #tpu.memory_space<vmem>>, vector<16xi32>,
          %get3A_326 = vector.shape_cast %get3A_325 : vector<16xi32> to vector<16xi32>
          %shift_right_logical3A_327 = arith.constant 14 : i32
          %shift_right_logical3A_328 = vector.broadcast %shift_right_logical3A_327 : i32 to vector<16xi32>
          %shift_right_logical3A_329 = arith.shrui %get3A_326, %shift_right_logical3A_328 : vector<16xi32>
          %swap3A_330 = arith.constant 0 : i32
          %swap3A_331 = arith.index_cast %swap3A_330 : i32 to index
          %swap3A_332 = arith.constant 0 : index
          %swap3A_333 = tpu.vector_load %arg6[%swap3A_331, %swap3A_332] {strides = array<i32>} : memref<3x48xi32, #tpu.memory_space<vmem>>, vector<1x16xi32>,
          %swap3A_334 = vector.shape_cast %swap3A_333 : vector<1x16xi32> to vector<16xi32>
          %swap3A_335 = vector.shape_cast %shift_right_logical3A_329 : vector<16xi32> to vector<1x16xi32>
          tpu.vector_store %arg6[%swap3A_331, %swap3A_332], %swap3A_335 {strides = array<i32>} : memref<3x48xi32, #tpu.memory_space<vmem>>, vector<1x16xi32>,
          %and3A_336 = arith.constant 16383 : i32
          %and3A_337 = vector.broadcast %and3A_336 : i32 to vector<16xi32>
          %and3A_338 = arith.andi %get3A_326, %and3A_337 : vector<16xi32>
          %swap3A_339 = arith.constant 0 : i32
          %swap3A_340 = arith.index_cast %swap3A_339 : i32 to index
          %swap3A_341 = arith.constant 0 : index
          %swap3A_342 = tpu.vector_load %arg7[%swap3A_340, %swap3A_341] {strides = array<i32>} : memref<3x48xi32, #tpu.memory_space<vmem>>, vector<1x16xi32>,
          %swap3A_343 = vector.shape_cast %swap3A_342 : vector<1x16xi32> to vector<16xi32>
          %swap3A_344 = vector.shape_cast %and3A_338 : vector<16xi32> to vector<1x16xi32>
          tpu.vector_store %arg7[%swap3A_340, %swap3A_341], %swap3A_344 {strides = array<i32>} : memref<3x48xi32, #tpu.memory_space<vmem>>, vector<1x16xi32>,
          %mul3A_345 = arith.constant 48 : i32
          %mul3A_346 = arith.muli %add3A_319, %mul3A_345 : i32
          %add3A_347 = arith.constant 16 : i32
          %add3A_348 = arith.addi %mul3A_346, %add3A_347 : i32
          %get3A_349 = arith.index_cast %add3A_348 : i32 to index
          %get3A_350 = tpu.vector_load %arg5[%get3A_349] {strides = array<i32>} : memref<11664xi32, #tpu.memory_space<vmem>>, vector<16xi32>,
          %get3A_351 = vector.shape_cast %get3A_350 : vector<16xi32> to vector<16xi32>
          %shift_right_logical3A_352 = arith.constant 14 : i32
          %shift_right_logical3A_353 = vector.broadcast %shift_right_logical3A_352 : i32 to vector<16xi32>
          %shift_right_logical3A_354 = arith.shrui %get3A_351, %shift_right_logical3A_353 : vector<16xi32>
          %swap3A_355 = arith.constant 0 : i32
          %swap3A_356 = arith.index_cast %swap3A_355 : i32 to index
          %swap3A_357 = arith.constant 16 : index
          %swap3A_358 = tpu.vector_load %arg6[%swap3A_356, %swap3A_357] {strides = array<i32>} : memref<3x48xi32, #tpu.memory_space<vmem>>, vector<1x16xi32>,
          %swap3A_359 = vector.shape_cast %swap3A_358 : vector<1x16xi32> to vector<16xi32>
          %swap3A_360 = vector.shape_cast %shift_right_logical3A_354 : vector<16xi32> to vector<1x16xi32>
          tpu.vector_store %arg6[%swap3A_356, %swap3A_357], %swap3A_360 {strides = array<i32>} : memref<3x48xi32, #tpu.memory_space<vmem>>, vector<1x16xi32>,
          %and3A_361 = arith.constant 16383 : i32
          %and3A_362 = vector.broadcast %and3A_361 : i32 to vector<16xi32>
          %and3A_363 = arith.andi %get3A_351, %and3A_362 : vector<16xi32>
          %swap3A_364 = arith.constant 0 : i32
          %swap3A_365 = arith.index_cast %swap3A_364 : i32 to index
          %swap3A_366 = arith.constant 16 : index
          %swap3A_367 = tpu.vector_load %arg7[%swap3A_365, %swap3A_366] {strides = array<i32>} : memref<3x48xi32, #tpu.memory_space<vmem>>, vector<1x16xi32>,
          %swap3A_368 = vector.shape_cast %swap3A_367 : vector<1x16xi32> to vector<16xi32>
          %swap3A_369 = vector.shape_cast %and3A_363 : vector<16xi32> to vector<1x16xi32>
          tpu.vector_store %arg7[%swap3A_365, %swap3A_366], %swap3A_369 {strides = array<i32>} : memref<3x48xi32, #tpu.memory_space<vmem>>, vector<1x16xi32>,
          %mul3A_370 = arith.constant 48 : i32
          %mul3A_371 = arith.muli %add3A_319, %mul3A_370 : i32
          %add3A_372 = arith.constant 32 : i32
          %add3A_373 = arith.addi %mul3A_371, %add3A_372 : i32
          %get3A_374 = arith.index_cast %add3A_373 : i32 to index
          %get3A_375 = tpu.vector_load %arg5[%get3A_374] {strides = array<i32>} : memref<11664xi32, #tpu.memory_space<vmem>>, vector<16xi32>,
          %get3A_376 = vector.shape_cast %get3A_375 : vector<16xi32> to vector<16xi32>
          %shift_right_logical3A_377 = arith.constant 14 : i32
          %shift_right_logical3A_378 = vector.broadcast %shift_right_logical3A_377 : i32 to vector<16xi32>
          %shift_right_logical3A_379 = arith.shrui %get3A_376, %shift_right_logical3A_378 : vector<16xi32>
          %swap3A_380 = arith.constant 0 : i32
          %swap3A_381 = arith.index_cast %swap3A_380 : i32 to index
          %swap3A_382 = arith.constant 32 : index
          %swap3A_383 = tpu.vector_load %arg6[%swap3A_381, %swap3A_382] {strides = array<i32>} : memref<3x48xi32, #tpu.memory_space<vmem>>, vector<1x16xi32>,
          %swap3A_384 = vector.shape_cast %swap3A_383 : vector<1x16xi32> to vector<16xi32>
          %swap3A_385 = vector.shape_cast %shift_right_logical3A_379 : vector<16xi32> to vector<1x16xi32>
          tpu.vector_store %arg6[%swap3A_381, %swap3A_382], %swap3A_385 {strides = array<i32>} : memref<3x48xi32, #tpu.memory_space<vmem>>, vector<1x16xi32>,
          %and3A_386 = arith.constant 16383 : i32
          %and3A_387 = vector.broadcast %and3A_386 : i32 to vector<16xi32>
          %and3A_388 = arith.andi %get3A_376, %and3A_387 : vector<16xi32>
          %swap3A_389 = arith.constant 0 : i32
          %swap3A_390 = arith.index_cast %swap3A_389 : i32 to index
          %swap3A_391 = arith.constant 32 : index
          %swap3A_392 = tpu.vector_load %arg7[%swap3A_390, %swap3A_391] {strides = array<i32>} : memref<3x48xi32, #tpu.memory_space<vmem>>, vector<1x16xi32>,
          %swap3A_393 = vector.shape_cast %swap3A_392 : vector<1x16xi32> to vector<16xi32>
          %swap3A_394 = vector.shape_cast %and3A_388 : vector<16xi32> to vector<1x16xi32>
          tpu.vector_store %arg7[%swap3A_390, %swap3A_391], %swap3A_394 {strides = array<i32>} : memref<3x48xi32, #tpu.memory_space<vmem>>, vector<1x16xi32>,
          %dma_start3A_395 = arith.constant 0 : i32
          %dma_start3A_396 = arith.constant 0 : i32
          %dma_start3A_397 = arith.constant 0 : i32
          %dma_start3A_398 = arith.constant 0 : i32
          %dma_start3A_399 = arith.constant 0 : i32
          %dma_start3A_400 = tpu.memref_slice %arg8[%dma_start3A_396, %dma_start3A_398, %dma_start3A_399] : memref<3x48x144xf32, #tpu.memory_space<vmem>> -> memref<1x48x144xf32, #tpu.memory_space<vmem>>
          %dma_start3A_401 = tpu.memref_squeeze %dma_start3A_400 : memref<1x48x144xf32, #tpu.memory_space<vmem>> -> memref<48x144xf32, #tpu.memory_space<vmem>>
          %dma_start3A_402 = arith.constant 0 : i32
          %dma_start3A_403 = tpu.memref_slice %arg6[%dma_start3A_395, %dma_start3A_402] : memref<3x48xi32, #tpu.memory_space<vmem>> -> memref<1x48xi32, #tpu.memory_space<vmem>>
          %dma_start3A_404 = tpu.memref_squeeze %dma_start3A_403 : memref<1x48xi32, #tpu.memory_space<vmem>> -> memref<48xi32, #tpu.memory_space<vmem>>
          %dma_start3A_405 = arith.constant 0 : i32
          %dma_start3A_406 = arith.constant 0 : i32
          %dma_start3A_407 = tpu.memref_slice %arg2[%dma_start3A_405, %dma_start3A_406] : memref<10752x144xf32, #tpu.memory_space<hbm>> -> memref<10752x144xf32, #tpu.memory_space<hbm>>
          %dma_start3A_408 = tpu.memref_slice %arg10[%dma_start3A_397] : memref<3x!tpu.dma_semaphore, #tpu.memory_space<semaphore_mem>> -> memref<1x!tpu.dma_semaphore, #tpu.memory_space<semaphore_mem>>
          %dma_start3A_409 = tpu.memref_squeeze %dma_start3A_408 : memref<1x!tpu.dma_semaphore, #tpu.memory_space<semaphore_mem>> -> memref<!tpu.dma_semaphore, #tpu.memory_space<semaphore_mem>>
          tpu.enqueue_indirect_dma source(%dma_start3A_407 : memref<10752x144xf32, #tpu.memory_space<hbm>>) target(%dma_start3A_401 : memref<48x144xf32, #tpu.memory_space<vmem>>) offsets(%dma_start3A_404 : memref<48xi32, #tpu.memory_space<vmem>>) semaphore(%dma_start3A_409 : memref<!tpu.dma_semaphore, #tpu.memory_space<semaphore_mem>>)
        } else {
        }
        %dma_wait3A_242 = arith.constant 1 : i32
        %dma_wait3A_243 = arith.constant 1 : i32
        %dma_wait3A_244 = arith.constant 1 : i32
        %dma_wait3A_245 = arith.constant 0 : i32
        %dma_wait3A_246 = arith.constant 0 : i32
        %dma_wait3A_247 = tpu.memref_slice %arg8[%dma_wait3A_243, %dma_wait3A_245, %dma_wait3A_246] : memref<3x48x144xf32, #tpu.memory_space<vmem>> -> memref<1x48x144xf32, #tpu.memory_space<vmem>>
        %dma_wait3A_248 = tpu.memref_squeeze %dma_wait3A_247 : memref<1x48x144xf32, #tpu.memory_space<vmem>> -> memref<48x144xf32, #tpu.memory_space<vmem>>
        %dma_wait3A_249 = arith.constant 0 : i32
        %dma_wait3A_250 = tpu.memref_slice %arg6[%dma_wait3A_242, %dma_wait3A_249] : memref<3x48xi32, #tpu.memory_space<vmem>> -> memref<1x48xi32, #tpu.memory_space<vmem>>
        %dma_wait3A_251 = tpu.memref_squeeze %dma_wait3A_250 : memref<1x48xi32, #tpu.memory_space<vmem>> -> memref<48xi32, #tpu.memory_space<vmem>>
        %dma_wait3A_252 = arith.constant 0 : i32
        %dma_wait3A_253 = arith.constant 0 : i32
        %dma_wait3A_254 = tpu.memref_slice %arg2[%dma_wait3A_252, %dma_wait3A_253] : memref<10752x144xf32, #tpu.memory_space<hbm>> -> memref<10752x144xf32, #tpu.memory_space<hbm>>
        %dma_wait3A_255 = tpu.memref_slice %arg10[%dma_wait3A_244] : memref<3x!tpu.dma_semaphore, #tpu.memory_space<semaphore_mem>> -> memref<1x!tpu.dma_semaphore, #tpu.memory_space<semaphore_mem>>
        %dma_wait3A_256 = tpu.memref_squeeze %dma_wait3A_255 : memref<1x!tpu.dma_semaphore, #tpu.memory_space<semaphore_mem>> -> memref<!tpu.dma_semaphore, #tpu.memory_space<semaphore_mem>>
        tpu.wait_indirect_dma semaphore(%dma_wait3A_256 : memref<!tpu.dma_semaphore, #tpu.memory_space<semaphore_mem>>) src(%dma_wait3A_254 : memref<10752x144xf32, #tpu.memory_space<hbm>>) dst(%dma_wait3A_248 : memref<48x144xf32, #tpu.memory_space<vmem>>)
        %dma_start3A_257 = arith.constant 1 : i32
        %dma_start3A_258 = arith.constant 1 : i32
        %dma_start3A_259 = arith.constant 1 : i32
        %dma_start3A_260 = arith.constant 0 : i32
        %dma_start3A_261 = arith.constant 0 : i32
        %dma_start3A_262 = tpu.memref_slice %arg8[%dma_start3A_257, %dma_start3A_260, %dma_start3A_261] : memref<3x48x144xf32, #tpu.memory_space<vmem>> -> memref<1x48x144xf32, #tpu.memory_space<vmem>>
        %dma_start3A_263 = tpu.memref_squeeze %dma_start3A_262 : memref<1x48x144xf32, #tpu.memory_space<vmem>> -> memref<48x144xf32, #tpu.memory_space<vmem>>
        %dma_start3A_264 = arith.constant 0 : i32
        %dma_start3A_265 = tpu.memref_slice %arg7[%dma_start3A_258, %dma_start3A_264] : memref<3x48xi32, #tpu.memory_space<vmem>> -> memref<1x48xi32, #tpu.memory_space<vmem>>
        %dma_start3A_266 = tpu.memref_squeeze %dma_start3A_265 : memref<1x48xi32, #tpu.memory_space<vmem>> -> memref<48xi32, #tpu.memory_space<vmem>>
        %dma_start3A_267 = arith.constant 0 : i32
        %dma_start3A_268 = arith.constant 0 : i32
        %dma_start3A_269 = tpu.memref_slice %arg9[%dma_start3A_267, %dma_start3A_268] : memref<10000x144xf32, #tpu.memory_space<vmem_shared>> -> memref<10000x144xf32, #tpu.memory_space<vmem_shared>>
        %dma_start3A_270 = tpu.memref_slice %arg11[%dma_start3A_259] : memref<3x!tpu.dma_semaphore, #tpu.memory_space<semaphore_mem>> -> memref<1x!tpu.dma_semaphore, #tpu.memory_space<semaphore_mem>>
        %dma_start3A_271 = tpu.memref_squeeze %dma_start3A_270 : memref<1x!tpu.dma_semaphore, #tpu.memory_space<semaphore_mem>> -> memref<!tpu.dma_semaphore, #tpu.memory_space<semaphore_mem>>
        tpu.enqueue_indirect_dma source(%dma_start3A_263 : memref<48x144xf32, #tpu.memory_space<vmem>>) target(%dma_start3A_269 : memref<10000x144xf32, #tpu.memory_space<vmem_shared>>) offsets(%dma_start3A_266 : memref<48xi32, #tpu.memory_space<vmem>>) semaphore(%dma_start3A_271 : memref<!tpu.dma_semaphore, #tpu.memory_space<semaphore_mem>>) {add = true}
        %mul3A_272 = arith.constant 3 : i32
        %mul3A_273 = arith.muli %mul3A_272, %scan3A_182 : i32
        %add3A_274 = arith.constant 2 : i32
        %add3A_275 = arith.addi %mul3A_273, %add3A_274 : i32
        %ge3A_276 = arith.constant 1 : i32
        %ge3A_277 = arith.cmpi sge, %add3A_275, %ge3A_276 : i32
        %convert_element_type3A_278 = arith.extui %ge3A_277 : i1 to i32
        %cond3A_279 = arith.constant 0 : i32
        %cond3A_280 = arith.cmpi ne, %convert_element_type3A_278, %cond3A_279 : i32
        scf.if %cond3A_280 {
          %sub3A = arith.constant 1 : i32
          %sub3A_318 = arith.subi %add3A_275, %sub3A : i32
          %dma_wait3A_319 = arith.constant 1 : i32
          %dma_wait3A_320 = arith.constant 1 : i32
          %dma_wait3A_321 = arith.constant 1 : i32
          %dma_wait3A_322 = arith.constant 0 : i32
          %dma_wait3A_323 = arith.constant 0 : i32
          %dma_wait3A_324 = tpu.memref_slice %arg8[%dma_wait3A_319, %dma_wait3A_322, %dma_wait3A_323] : memref<3x48x144xf32, #tpu.memory_space<vmem>> -> memref<1x48x144xf32, #tpu.memory_space<vmem>>
          %dma_wait3A_325 = tpu.memref_squeeze %dma_wait3A_324 : memref<1x48x144xf32, #tpu.memory_space<vmem>> -> memref<48x144xf32, #tpu.memory_space<vmem>>
          %dma_wait3A_326 = arith.constant 0 : i32
          %dma_wait3A_327 = tpu.memref_slice %arg7[%dma_wait3A_320, %dma_wait3A_326] : memref<3x48xi32, #tpu.memory_space<vmem>> -> memref<1x48xi32, #tpu.memory_space<vmem>>
          %dma_wait3A_328 = tpu.memref_squeeze %dma_wait3A_327 : memref<1x48xi32, #tpu.memory_space<vmem>> -> memref<48xi32, #tpu.memory_space<vmem>>
          %dma_wait3A_329 = arith.constant 0 : i32
          %dma_wait3A_330 = arith.constant 0 : i32
          %dma_wait3A_331 = tpu.memref_slice %arg9[%dma_wait3A_329, %dma_wait3A_330] : memref<10000x144xf32, #tpu.memory_space<vmem_shared>> -> memref<10000x144xf32, #tpu.memory_space<vmem_shared>>
          %dma_wait3A_332 = tpu.memref_slice %arg11[%dma_wait3A_321] : memref<3x!tpu.dma_semaphore, #tpu.memory_space<semaphore_mem>> -> memref<1x!tpu.dma_semaphore, #tpu.memory_space<semaphore_mem>>
          %dma_wait3A_333 = tpu.memref_squeeze %dma_wait3A_332 : memref<1x!tpu.dma_semaphore, #tpu.memory_space<semaphore_mem>> -> memref<!tpu.dma_semaphore, #tpu.memory_space<semaphore_mem>>
          tpu.wait_indirect_dma semaphore(%dma_wait3A_333 : memref<!tpu.dma_semaphore, #tpu.memory_space<semaphore_mem>>) src(%dma_wait3A_325 : memref<48x144xf32, #tpu.memory_space<vmem>>) dst(%dma_wait3A_331 : memref<10000x144xf32, #tpu.memory_space<vmem_shared>>)
        } else {
        }
        %add3A_281 = arith.constant 2 : i32
        %add3A_282 = arith.addi %add3A_275, %add3A_281 : i32
        %lt3A_283 = arith.constant 243 : i32
        %lt3A_284 = arith.cmpi slt, %add3A_282, %lt3A_283 : i32
        %convert_element_type3A_285 = arith.extui %lt3A_284 : i1 to i32
        %cond3A_286 = arith.constant 0 : i32
        %cond3A_287 = arith.cmpi ne, %convert_element_type3A_285, %cond3A_286 : i32
        scf.if %cond3A_287 {
          %add3A_318 = arith.constant 2 : i32
          %add3A_319 = arith.addi %add3A_275, %add3A_318 : i32
          %mul3A_320 = arith.constant 48 : i32
          %mul3A_321 = arith.muli %add3A_319, %mul3A_320 : i32
          %add3A_322 = arith.constant 0 : i32
          %add3A_323 = arith.addi %mul3A_321, %add3A_322 : i32
          %get3A_324 = arith.index_cast %add3A_323 : i32 to index
          %get3A_325 = tpu.vector_load %arg5[%get3A_324] {strides = array<i32>} : memref<11664xi32, #tpu.memory_space<vmem>>, vector<16xi32>,
          %get3A_326 = vector.shape_cast %get3A_325 : vector<16xi32> to vector<16xi32>
          %shift_right_logical3A_327 = arith.constant 14 : i32
          %shift_right_logical3A_328 = vector.broadcast %shift_right_logical3A_327 : i32 to vector<16xi32>
          %shift_right_logical3A_329 = arith.shrui %get3A_326, %shift_right_logical3A_328 : vector<16xi32>
          %swap3A_330 = arith.constant 1 : i32
          %swap3A_331 = arith.index_cast %swap3A_330 : i32 to index
          %swap3A_332 = arith.constant 0 : index
          %swap3A_333 = tpu.vector_load %arg6[%swap3A_331, %swap3A_332] {strides = array<i32>} : memref<3x48xi32, #tpu.memory_space<vmem>>, vector<1x16xi32>,
          %swap3A_334 = vector.shape_cast %swap3A_333 : vector<1x16xi32> to vector<16xi32>
          %swap3A_335 = vector.shape_cast %shift_right_logical3A_329 : vector<16xi32> to vector<1x16xi32>
          tpu.vector_store %arg6[%swap3A_331, %swap3A_332], %swap3A_335 {strides = array<i32>} : memref<3x48xi32, #tpu.memory_space<vmem>>, vector<1x16xi32>,
          %and3A_336 = arith.constant 16383 : i32
          %and3A_337 = vector.broadcast %and3A_336 : i32 to vector<16xi32>
          %and3A_338 = arith.andi %get3A_326, %and3A_337 : vector<16xi32>
          %swap3A_339 = arith.constant 1 : i32
          %swap3A_340 = arith.index_cast %swap3A_339 : i32 to index
          %swap3A_341 = arith.constant 0 : index
          %swap3A_342 = tpu.vector_load %arg7[%swap3A_340, %swap3A_341] {strides = array<i32>} : memref<3x48xi32, #tpu.memory_space<vmem>>, vector<1x16xi32>,
          %swap3A_343 = vector.shape_cast %swap3A_342 : vector<1x16xi32> to vector<16xi32>
          %swap3A_344 = vector.shape_cast %and3A_338 : vector<16xi32> to vector<1x16xi32>
          tpu.vector_store %arg7[%swap3A_340, %swap3A_341], %swap3A_344 {strides = array<i32>} : memref<3x48xi32, #tpu.memory_space<vmem>>, vector<1x16xi32>,
          %mul3A_345 = arith.constant 48 : i32
          %mul3A_346 = arith.muli %add3A_319, %mul3A_345 : i32
          %add3A_347 = arith.constant 16 : i32
          %add3A_348 = arith.addi %mul3A_346, %add3A_347 : i32
          %get3A_349 = arith.index_cast %add3A_348 : i32 to index
          %get3A_350 = tpu.vector_load %arg5[%get3A_349] {strides = array<i32>} : memref<11664xi32, #tpu.memory_space<vmem>>, vector<16xi32>,
          %get3A_351 = vector.shape_cast %get3A_350 : vector<16xi32> to vector<16xi32>
          %shift_right_logical3A_352 = arith.constant 14 : i32
          %shift_right_logical3A_353 = vector.broadcast %shift_right_logical3A_352 : i32 to vector<16xi32>
          %shift_right_logical3A_354 = arith.shrui %get3A_351, %shift_right_logical3A_353 : vector<16xi32>
          %swap3A_355 = arith.constant 1 : i32
          %swap3A_356 = arith.index_cast %swap3A_355 : i32 to index
          %swap3A_357 = arith.constant 16 : index
          %swap3A_358 = tpu.vector_load %arg6[%swap3A_356, %swap3A_357] {strides = array<i32>} : memref<3x48xi32, #tpu.memory_space<vmem>>, vector<1x16xi32>,
          %swap3A_359 = vector.shape_cast %swap3A_358 : vector<1x16xi32> to vector<16xi32>
          %swap3A_360 = vector.shape_cast %shift_right_logical3A_354 : vector<16xi32> to vector<1x16xi32>
          tpu.vector_store %arg6[%swap3A_356, %swap3A_357], %swap3A_360 {strides = array<i32>} : memref<3x48xi32, #tpu.memory_space<vmem>>, vector<1x16xi32>,
          %and3A_361 = arith.constant 16383 : i32
          %and3A_362 = vector.broadcast %and3A_361 : i32 to vector<16xi32>
          %and3A_363 = arith.andi %get3A_351, %and3A_362 : vector<16xi32>
          %swap3A_364 = arith.constant 1 : i32
          %swap3A_365 = arith.index_cast %swap3A_364 : i32 to index
          %swap3A_366 = arith.constant 16 : index
          %swap3A_367 = tpu.vector_load %arg7[%swap3A_365, %swap3A_366] {strides = array<i32>} : memref<3x48xi32, #tpu.memory_space<vmem>>, vector<1x16xi32>,
          %swap3A_368 = vector.shape_cast %swap3A_367 : vector<1x16xi32> to vector<16xi32>
          %swap3A_369 = vector.shape_cast %and3A_363 : vector<16xi32> to vector<1x16xi32>
          tpu.vector_store %arg7[%swap3A_365, %swap3A_366], %swap3A_369 {strides = array<i32>} : memref<3x48xi32, #tpu.memory_space<vmem>>, vector<1x16xi32>,
          %mul3A_370 = arith.constant 48 : i32
          %mul3A_371 = arith.muli %add3A_319, %mul3A_370 : i32
          %add3A_372 = arith.constant 32 : i32
          %add3A_373 = arith.addi %mul3A_371, %add3A_372 : i32
          %get3A_374 = arith.index_cast %add3A_373 : i32 to index
          %get3A_375 = tpu.vector_load %arg5[%get3A_374] {strides = array<i32>} : memref<11664xi32, #tpu.memory_space<vmem>>, vector<16xi32>,
          %get3A_376 = vector.shape_cast %get3A_375 : vector<16xi32> to vector<16xi32>
          %shift_right_logical3A_377 = arith.constant 14 : i32
          %shift_right_logical3A_378 = vector.broadcast %shift_right_logical3A_377 : i32 to vector<16xi32>
          %shift_right_logical3A_379 = arith.shrui %get3A_376, %shift_right_logical3A_378 : vector<16xi32>
          %swap3A_380 = arith.constant 1 : i32
          %swap3A_381 = arith.index_cast %swap3A_380 : i32 to index
          %swap3A_382 = arith.constant 32 : index
          %swap3A_383 = tpu.vector_load %arg6[%swap3A_381, %swap3A_382] {strides = array<i32>} : memref<3x48xi32, #tpu.memory_space<vmem>>, vector<1x16xi32>,
          %swap3A_384 = vector.shape_cast %swap3A_383 : vector<1x16xi32> to vector<16xi32>
          %swap3A_385 = vector.shape_cast %shift_right_logical3A_379 : vector<16xi32> to vector<1x16xi32>
          tpu.vector_store %arg6[%swap3A_381, %swap3A_382], %swap3A_385 {strides = array<i32>} : memref<3x48xi32, #tpu.memory_space<vmem>>, vector<1x16xi32>,
          %and3A_386 = arith.constant 16383 : i32
          %and3A_387 = vector.broadcast %and3A_386 : i32 to vector<16xi32>
          %and3A_388 = arith.andi %get3A_376, %and3A_387 : vector<16xi32>
          %swap3A_389 = arith.constant 1 : i32
          %swap3A_390 = arith.index_cast %swap3A_389 : i32 to index
          %swap3A_391 = arith.constant 32 : index
          %swap3A_392 = tpu.vector_load %arg7[%swap3A_390, %swap3A_391] {strides = array<i32>} : memref<3x48xi32, #tpu.memory_space<vmem>>, vector<1x16xi32>,
          %swap3A_393 = vector.shape_cast %swap3A_392 : vector<1x16xi32> to vector<16xi32>
          %swap3A_394 = vector.shape_cast %and3A_388 : vector<16xi32> to vector<1x16xi32>
          tpu.vector_store %arg7[%swap3A_390, %swap3A_391], %swap3A_394 {strides = array<i32>} : memref<3x48xi32, #tpu.memory_space<vmem>>, vector<1x16xi32>,
          %dma_start3A_395 = arith.constant 1 : i32
          %dma_start3A_396 = arith.constant 1 : i32
          %dma_start3A_397 = arith.constant 1 : i32
          %dma_start3A_398 = arith.constant 0 : i32
          %dma_start3A_399 = arith.constant 0 : i32
          %dma_start3A_400 = tpu.memref_slice %arg8[%dma_start3A_396, %dma_start3A_398, %dma_start3A_399] : memref<3x48x144xf32, #tpu.memory_space<vmem>> -> memref<1x48x144xf32, #tpu.memory_space<vmem>>
          %dma_start3A_401 = tpu.memref_squeeze %dma_start3A_400 : memref<1x48x144xf32, #tpu.memory_space<vmem>> -> memref<48x144xf32, #tpu.memory_space<vmem>>
          %dma_start3A_402 = arith.constant 0 : i32
          %dma_start3A_403 = tpu.memref_slice %arg6[%dma_start3A_395, %dma_start3A_402] : memref<3x48xi32, #tpu.memory_space<vmem>> -> memref<1x48xi32, #tpu.memory_space<vmem>>
          %dma_start3A_404 = tpu.memref_squeeze %dma_start3A_403 : memref<1x48xi32, #tpu.memory_space<vmem>> -> memref<48xi32, #tpu.memory_space<vmem>>
          %dma_start3A_405 = arith.constant 0 : i32
          %dma_start3A_406 = arith.constant 0 : i32
          %dma_start3A_407 = tpu.memref_slice %arg2[%dma_start3A_405, %dma_start3A_406] : memref<10752x144xf32, #tpu.memory_space<hbm>> -> memref<10752x144xf32, #tpu.memory_space<hbm>>
          %dma_start3A_408 = tpu.memref_slice %arg10[%dma_start3A_397] : memref<3x!tpu.dma_semaphore, #tpu.memory_space<semaphore_mem>> -> memref<1x!tpu.dma_semaphore, #tpu.memory_space<semaphore_mem>>
          %dma_start3A_409 = tpu.memref_squeeze %dma_start3A_408 : memref<1x!tpu.dma_semaphore, #tpu.memory_space<semaphore_mem>> -> memref<!tpu.dma_semaphore, #tpu.memory_space<semaphore_mem>>
          tpu.enqueue_indirect_dma source(%dma_start3A_407 : memref<10752x144xf32, #tpu.memory_space<hbm>>) target(%dma_start3A_401 : memref<48x144xf32, #tpu.memory_space<vmem>>) offsets(%dma_start3A_404 : memref<48xi32, #tpu.memory_space<vmem>>) semaphore(%dma_start3A_409 : memref<!tpu.dma_semaphore, #tpu.memory_space<semaphore_mem>>)
        } else {
        }
        %dma_wait3A_288 = arith.constant 2 : i32
        %dma_wait3A_289 = arith.constant 2 : i32
        %dma_wait3A_290 = arith.constant 2 : i32
        %dma_wait3A_291 = arith.constant 0 : i32
        %dma_wait3A_292 = arith.constant 0 : i32
        %dma_wait3A_293 = tpu.memref_slice %arg8[%dma_wait3A_289, %dma_wait3A_291, %dma_wait3A_292] : memref<3x48x144xf32, #tpu.memory_space<vmem>> -> memref<1x48x144xf32, #tpu.memory_space<vmem>>
        %dma_wait3A_294 = tpu.memref_squeeze %dma_wait3A_293 : memref<1x48x144xf32, #tpu.memory_space<vmem>> -> memref<48x144xf32, #tpu.memory_space<vmem>>
        %dma_wait3A_295 = arith.constant 0 : i32
        %dma_wait3A_296 = tpu.memref_slice %arg6[%dma_wait3A_288, %dma_wait3A_295] : memref<3x48xi32, #tpu.memory_space<vmem>> -> memref<1x48xi32, #tpu.memory_space<vmem>>
        %dma_wait3A_297 = tpu.memref_squeeze %dma_wait3A_296 : memref<1x48xi32, #tpu.memory_space<vmem>> -> memref<48xi32, #tpu.memory_space<vmem>>
        %dma_wait3A_298 = arith.constant 0 : i32
        %dma_wait3A_299 = arith.constant 0 : i32
        %dma_wait3A_300 = tpu.memref_slice %arg2[%dma_wait3A_298, %dma_wait3A_299] : memref<10752x144xf32, #tpu.memory_space<hbm>> -> memref<10752x144xf32, #tpu.memory_space<hbm>>
        %dma_wait3A_301 = tpu.memref_slice %arg10[%dma_wait3A_290] : memref<3x!tpu.dma_semaphore, #tpu.memory_space<semaphore_mem>> -> memref<1x!tpu.dma_semaphore, #tpu.memory_space<semaphore_mem>>
        %dma_wait3A_302 = tpu.memref_squeeze %dma_wait3A_301 : memref<1x!tpu.dma_semaphore, #tpu.memory_space<semaphore_mem>> -> memref<!tpu.dma_semaphore, #tpu.memory_space<semaphore_mem>>
        tpu.wait_indirect_dma semaphore(%dma_wait3A_302 : memref<!tpu.dma_semaphore, #tpu.memory_space<semaphore_mem>>) src(%dma_wait3A_300 : memref<10752x144xf32, #tpu.memory_space<hbm>>) dst(%dma_wait3A_294 : memref<48x144xf32, #tpu.memory_space<vmem>>)
        %dma_start3A_303 = arith.constant 2 : i32
        %dma_start3A_304 = arith.constant 2 : i32
        %dma_start3A_305 = arith.constant 2 : i32
        %dma_start3A_306 = arith.constant 0 : i32
        %dma_start3A_307 = arith.constant 0 : i32
        %dma_start3A_308 = tpu.memref_slice %arg8[%dma_start3A_303, %dma_start3A_306, %dma_start3A_307] : memref<3x48x144xf32, #tpu.memory_space<vmem>> -> memref<1x48x144xf32, #tpu.memory_space<vmem>>
        %dma_start3A_309 = tpu.memref_squeeze %dma_start3A_308 : memref<1x48x144xf32, #tpu.memory_space<vmem>> -> memref<48x144xf32, #tpu.memory_space<vmem>>
        %dma_start3A_310 = arith.constant 0 : i32
        %dma_start3A_311 = tpu.memref_slice %arg7[%dma_start3A_304, %dma_start3A_310] : memref<3x48xi32, #tpu.memory_space<vmem>> -> memref<1x48xi32, #tpu.memory_space<vmem>>
        %dma_start3A_312 = tpu.memref_squeeze %dma_start3A_311 : memref<1x48xi32, #tpu.memory_space<vmem>> -> memref<48xi32, #tpu.memory_space<vmem>>
        %dma_start3A_313 = arith.constant 0 : i32
        %dma_start3A_314 = arith.constant 0 : i32
        %dma_start3A_315 = tpu.memref_slice %arg9[%dma_start3A_313, %dma_start3A_314] : memref<10000x144xf32, #tpu.memory_space<vmem_shared>> -> memref<10000x144xf32, #tpu.memory_space<vmem_shared>>
        %dma_start3A_316 = tpu.memref_slice %arg11[%dma_start3A_305] : memref<3x!tpu.dma_semaphore, #tpu.memory_space<semaphore_mem>> -> memref<1x!tpu.dma_semaphore, #tpu.memory_space<semaphore_mem>>
        %dma_start3A_317 = tpu.memref_squeeze %dma_start3A_316 : memref<1x!tpu.dma_semaphore, #tpu.memory_space<semaphore_mem>> -> memref<!tpu.dma_semaphore, #tpu.memory_space<semaphore_mem>>
        tpu.enqueue_indirect_dma source(%dma_start3A_309 : memref<48x144xf32, #tpu.memory_space<vmem>>) target(%dma_start3A_315 : memref<10000x144xf32, #tpu.memory_space<vmem_shared>>) offsets(%dma_start3A_312 : memref<48xi32, #tpu.memory_space<vmem>>) semaphore(%dma_start3A_317 : memref<!tpu.dma_semaphore, #tpu.memory_space<semaphore_mem>>) {add = true}
      }
      %scan3A_167 = arith.constant 81 : i32
      %dma_wait3A = arith.constant 2 : i32
      %dma_wait3A_168 = arith.constant 2 : i32
      %dma_wait3A_169 = arith.constant 2 : i32
      %dma_wait3A_170 = arith.constant 0 : i32
      %dma_wait3A_171 = arith.constant 0 : i32
      %dma_wait3A_172 = tpu.memref_slice %arg8[%dma_wait3A, %dma_wait3A_170, %dma_wait3A_171] : memref<3x48x144xf32, #tpu.memory_space<vmem>> -> memref<1x48x144xf32, #tpu.memory_space<vmem>>
      %dma_wait3A_173 = tpu.memref_squeeze %dma_wait3A_172 : memref<1x48x144xf32, #tpu.memory_space<vmem>> -> memref<48x144xf32, #tpu.memory_space<vmem>>
      %dma_wait3A_174 = arith.constant 0 : i32
      %dma_wait3A_175 = tpu.memref_slice %arg7[%dma_wait3A_168, %dma_wait3A_174] : memref<3x48xi32, #tpu.memory_space<vmem>> -> memref<1x48xi32, #tpu.memory_space<vmem>>
      %dma_wait3A_176 = tpu.memref_squeeze %dma_wait3A_175 : memref<1x48xi32, #tpu.memory_space<vmem>> -> memref<48xi32, #tpu.memory_space<vmem>>
      %dma_wait3A_177 = arith.constant 0 : i32
      %dma_wait3A_178 = arith.constant 0 : i32
      %dma_wait3A_179 = tpu.memref_slice %arg9[%dma_wait3A_177, %dma_wait3A_178] : memref<10000x144xf32, #tpu.memory_space<vmem_shared>> -> memref<10000x144xf32, #tpu.memory_space<vmem_shared>>
      %dma_wait3A_180 = tpu.memref_slice %arg11[%dma_wait3A_169] : memref<3x!tpu.dma_semaphore, #tpu.memory_space<semaphore_mem>> -> memref<1x!tpu.dma_semaphore, #tpu.memory_space<semaphore_mem>>
      %dma_wait3A_181 = tpu.memref_squeeze %dma_wait3A_180 : memref<1x!tpu.dma_semaphore, #tpu.memory_space<semaphore_mem>> -> memref<!tpu.dma_semaphore, #tpu.memory_space<semaphore_mem>>
      tpu.wait_indirect_dma semaphore(%dma_wait3A_181 : memref<!tpu.dma_semaphore, #tpu.memory_space<semaphore_mem>>) src(%dma_wait3A_173 : memref<48x144xf32, #tpu.memory_space<vmem>>) dst(%dma_wait3A_179 : memref<10000x144xf32, #tpu.memory_space<vmem_shared>>)
    } else {
    }
    %eq3A_3 = arith.constant 1 : i32
    %eq3A_4 = arith.cmpi eq, %arg0, %eq3A_3 : i32
    %convert_element_type3A_5 = arith.extui %eq3A_4 : i1 to i32
    %cond3A_6 = arith.constant 0 : i32
    %cond3A_7 = arith.cmpi ne, %convert_element_type3A_5, %cond3A_6 : i32
    scf.if %cond3A_7 {
      %mul3A_9 = arith.constant 174 : i32
      %mul3A_10 = arith.muli %arg1, %mul3A_9 : i32
      %add3A = arith.constant 3888 : i32
      %add3A_11 = arith.addi %add3A, %mul3A_10 : i32
      %mul3A_12 = arith.constant 48 : i32
      %mul3A_13 = arith.muli %add3A_11, %mul3A_12 : i32
      "tpu.region"() ({
        %run_scoped3A = tpu.sem_alloc : memref<!tpu.dma_semaphore, #tpu.memory_space<semaphore_mem>>
        %dma_start3A_183 = arith.constant 0 : i32
        %dma_start3A_184 = tpu.memref_slice %arg5[%dma_start3A_183] : memref<11664xi32, #tpu.memory_space<vmem>> -> memref<8352xi32, #tpu.memory_space<vmem>>
        %dma_start3A_185 = tpu.memref_slice %arg3[%mul3A_13] : memref<320256xi32, #tpu.memory_space<hbm>> -> memref<8352xi32, #tpu.memory_space<hbm>>
        %dma_start3A_186 = arith.constant 0 : i32
        %dma_start3A_187 = tpu.memref_slice %arg5[%dma_start3A_186] : memref<11664xi32, #tpu.memory_space<vmem>> -> memref<8352xi32, #tpu.memory_space<vmem>>
        %dma_start3A_188 = tpu.memref_slice %arg3[%mul3A_13] : memref<320256xi32, #tpu.memory_space<hbm>> -> memref<8352xi32, #tpu.memory_space<hbm>>
        tpu.enqueue_dma source(%dma_start3A_188 : memref<8352xi32, #tpu.memory_space<hbm>>) target(%dma_start3A_187 : memref<8352xi32, #tpu.memory_space<vmem>>) target_semaphore(%run_scoped3A : memref<!tpu.dma_semaphore, #tpu.memory_space<semaphore_mem>>)
        %dma_wait3A_189 = arith.constant 0 : i32
        %dma_wait3A_190 = tpu.memref_slice %arg5[%dma_wait3A_189] : memref<11664xi32, #tpu.memory_space<vmem>> -> memref<8352xi32, #tpu.memory_space<vmem>>
        %dma_wait3A_191 = tpu.memref_slice %arg3[%mul3A_13] : memref<320256xi32, #tpu.memory_space<hbm>> -> memref<8352xi32, #tpu.memory_space<hbm>>
        %dma_wait3A_192 = arith.constant 0 : i32
        %dma_wait3A_193 = tpu.memref_slice %arg5[%dma_wait3A_192] : memref<11664xi32, #tpu.memory_space<vmem>> -> memref<8352xi32, #tpu.memory_space<vmem>>
        %dma_wait3A_194 = tpu.memref_slice %arg3[%mul3A_13] : memref<320256xi32, #tpu.memory_space<hbm>> -> memref<8352xi32, #tpu.memory_space<hbm>>
        tpu.wait_dma2 semaphore(%run_scoped3A : memref<!tpu.dma_semaphore, #tpu.memory_space<semaphore_mem>>) src(%dma_wait3A_194 : memref<8352xi32, #tpu.memory_space<hbm>>) dst(%dma_wait3A_193 : memref<8352xi32, #tpu.memory_space<vmem>>)
        tpu.yield
      }) : () -> ()
      %get3A = arith.constant 0 : index
      %get3A_14 = tpu.vector_load %arg5[%get3A] {strides = array<i32>} : memref<11664xi32, #tpu.memory_space<vmem>>, vector<16xi32>,
      %get3A_15 = vector.shape_cast %get3A_14 : vector<16xi32> to vector<16xi32>
      %shift_right_logical3A = arith.constant 14 : i32
      %shift_right_logical3A_16 = vector.broadcast %shift_right_logical3A : i32 to vector<16xi32>
      %shift_right_logical3A_17 = arith.shrui %get3A_15, %shift_right_logical3A_16 : vector<16xi32>
      %swap3A = arith.constant 0 : i32
      %swap3A_18 = arith.index_cast %swap3A : i32 to index
      %swap3A_19 = arith.constant 0 : index
      %swap3A_20 = tpu.vector_load %arg6[%swap3A_18, %swap3A_19] {strides = array<i32>} : memref<3x48xi32, #tpu.memory_space<vmem>>, vector<1x16xi32>,
      %swap3A_21 = vector.shape_cast %swap3A_20 : vector<1x16xi32> to vector<16xi32>
      %swap3A_22 = vector.shape_cast %shift_right_logical3A_17 : vector<16xi32> to vector<1x16xi32>
      tpu.vector_store %arg6[%swap3A_18, %swap3A_19], %swap3A_22 {strides = array<i32>} : memref<3x48xi32, #tpu.memory_space<vmem>>, vector<1x16xi32>,
      %and3A = arith.constant 16383 : i32
      %and3A_23 = vector.broadcast %and3A : i32 to vector<16xi32>
      %and3A_24 = arith.andi %get3A_15, %and3A_23 : vector<16xi32>
      %swap3A_25 = arith.constant 0 : i32
      %swap3A_26 = arith.index_cast %swap3A_25 : i32 to index
      %swap3A_27 = arith.constant 0 : index
      %swap3A_28 = tpu.vector_load %arg7[%swap3A_26, %swap3A_27] {strides = array<i32>} : memref<3x48xi32, #tpu.memory_space<vmem>>, vector<1x16xi32>,
      %swap3A_29 = vector.shape_cast %swap3A_28 : vector<1x16xi32> to vector<16xi32>
      %swap3A_30 = vector.shape_cast %and3A_24 : vector<16xi32> to vector<1x16xi32>
      tpu.vector_store %arg7[%swap3A_26, %swap3A_27], %swap3A_30 {strides = array<i32>} : memref<3x48xi32, #tpu.memory_space<vmem>>, vector<1x16xi32>,
      %get3A_31 = arith.constant 16 : index
      %get3A_32 = tpu.vector_load %arg5[%get3A_31] {strides = array<i32>} : memref<11664xi32, #tpu.memory_space<vmem>>, vector<16xi32>,
      %get3A_33 = vector.shape_cast %get3A_32 : vector<16xi32> to vector<16xi32>
      %shift_right_logical3A_34 = arith.constant 14 : i32
      %shift_right_logical3A_35 = vector.broadcast %shift_right_logical3A_34 : i32 to vector<16xi32>
      %shift_right_logical3A_36 = arith.shrui %get3A_33, %shift_right_logical3A_35 : vector<16xi32>
      %swap3A_37 = arith.constant 0 : i32
      %swap3A_38 = arith.index_cast %swap3A_37 : i32 to index
      %swap3A_39 = arith.constant 16 : index
      %swap3A_40 = tpu.vector_load %arg6[%swap3A_38, %swap3A_39] {strides = array<i32>} : memref<3x48xi32, #tpu.memory_space<vmem>>, vector<1x16xi32>,
      %swap3A_41 = vector.shape_cast %swap3A_40 : vector<1x16xi32> to vector<16xi32>
      %swap3A_42 = vector.shape_cast %shift_right_logical3A_36 : vector<16xi32> to vector<1x16xi32>
      tpu.vector_store %arg6[%swap3A_38, %swap3A_39], %swap3A_42 {strides = array<i32>} : memref<3x48xi32, #tpu.memory_space<vmem>>, vector<1x16xi32>,
      %and3A_43 = arith.constant 16383 : i32
      %and3A_44 = vector.broadcast %and3A_43 : i32 to vector<16xi32>
      %and3A_45 = arith.andi %get3A_33, %and3A_44 : vector<16xi32>
      %swap3A_46 = arith.constant 0 : i32
      %swap3A_47 = arith.index_cast %swap3A_46 : i32 to index
      %swap3A_48 = arith.constant 16 : index
      %swap3A_49 = tpu.vector_load %arg7[%swap3A_47, %swap3A_48] {strides = array<i32>} : memref<3x48xi32, #tpu.memory_space<vmem>>, vector<1x16xi32>,
      %swap3A_50 = vector.shape_cast %swap3A_49 : vector<1x16xi32> to vector<16xi32>
      %swap3A_51 = vector.shape_cast %and3A_45 : vector<16xi32> to vector<1x16xi32>
      tpu.vector_store %arg7[%swap3A_47, %swap3A_48], %swap3A_51 {strides = array<i32>} : memref<3x48xi32, #tpu.memory_space<vmem>>, vector<1x16xi32>,
      %get3A_52 = arith.constant 32 : index
      %get3A_53 = tpu.vector_load %arg5[%get3A_52] {strides = array<i32>} : memref<11664xi32, #tpu.memory_space<vmem>>, vector<16xi32>,
      %get3A_54 = vector.shape_cast %get3A_53 : vector<16xi32> to vector<16xi32>
      %shift_right_logical3A_55 = arith.constant 14 : i32
      %shift_right_logical3A_56 = vector.broadcast %shift_right_logical3A_55 : i32 to vector<16xi32>
      %shift_right_logical3A_57 = arith.shrui %get3A_54, %shift_right_logical3A_56 : vector<16xi32>
      %swap3A_58 = arith.constant 0 : i32
      %swap3A_59 = arith.index_cast %swap3A_58 : i32 to index
      %swap3A_60 = arith.constant 32 : index
      %swap3A_61 = tpu.vector_load %arg6[%swap3A_59, %swap3A_60] {strides = array<i32>} : memref<3x48xi32, #tpu.memory_space<vmem>>, vector<1x16xi32>,
      %swap3A_62 = vector.shape_cast %swap3A_61 : vector<1x16xi32> to vector<16xi32>
      %swap3A_63 = vector.shape_cast %shift_right_logical3A_57 : vector<16xi32> to vector<1x16xi32>
      tpu.vector_store %arg6[%swap3A_59, %swap3A_60], %swap3A_63 {strides = array<i32>} : memref<3x48xi32, #tpu.memory_space<vmem>>, vector<1x16xi32>,
      %and3A_64 = arith.constant 16383 : i32
      %and3A_65 = vector.broadcast %and3A_64 : i32 to vector<16xi32>
      %and3A_66 = arith.andi %get3A_54, %and3A_65 : vector<16xi32>
      %swap3A_67 = arith.constant 0 : i32
      %swap3A_68 = arith.index_cast %swap3A_67 : i32 to index
      %swap3A_69 = arith.constant 32 : index
      %swap3A_70 = tpu.vector_load %arg7[%swap3A_68, %swap3A_69] {strides = array<i32>} : memref<3x48xi32, #tpu.memory_space<vmem>>, vector<1x16xi32>,
      %swap3A_71 = vector.shape_cast %swap3A_70 : vector<1x16xi32> to vector<16xi32>
      %swap3A_72 = vector.shape_cast %and3A_66 : vector<16xi32> to vector<1x16xi32>
      tpu.vector_store %arg7[%swap3A_68, %swap3A_69], %swap3A_72 {strides = array<i32>} : memref<3x48xi32, #tpu.memory_space<vmem>>, vector<1x16xi32>,
      %dma_start3A = arith.constant 0 : i32
      %dma_start3A_73 = arith.constant 0 : i32
      %dma_start3A_74 = arith.constant 0 : i32
      %dma_start3A_75 = arith.constant 0 : i32
      %dma_start3A_76 = arith.constant 0 : i32
      %dma_start3A_77 = tpu.memref_slice %arg8[%dma_start3A_73, %dma_start3A_75, %dma_start3A_76] : memref<3x48x144xf32, #tpu.memory_space<vmem>> -> memref<1x48x144xf32, #tpu.memory_space<vmem>>
      %dma_start3A_78 = tpu.memref_squeeze %dma_start3A_77 : memref<1x48x144xf32, #tpu.memory_space<vmem>> -> memref<48x144xf32, #tpu.memory_space<vmem>>
      %dma_start3A_79 = arith.constant 0 : i32
      %dma_start3A_80 = tpu.memref_slice %arg6[%dma_start3A, %dma_start3A_79] : memref<3x48xi32, #tpu.memory_space<vmem>> -> memref<1x48xi32, #tpu.memory_space<vmem>>
      %dma_start3A_81 = tpu.memref_squeeze %dma_start3A_80 : memref<1x48xi32, #tpu.memory_space<vmem>> -> memref<48xi32, #tpu.memory_space<vmem>>
      %dma_start3A_82 = arith.constant 0 : i32
      %dma_start3A_83 = arith.constant 0 : i32
      %dma_start3A_84 = tpu.memref_slice %arg2[%dma_start3A_82, %dma_start3A_83] : memref<10752x144xf32, #tpu.memory_space<hbm>> -> memref<10752x144xf32, #tpu.memory_space<hbm>>
      %dma_start3A_85 = tpu.memref_slice %arg10[%dma_start3A_74] : memref<3x!tpu.dma_semaphore, #tpu.memory_space<semaphore_mem>> -> memref<1x!tpu.dma_semaphore, #tpu.memory_space<semaphore_mem>>
      %dma_start3A_86 = tpu.memref_squeeze %dma_start3A_85 : memref<1x!tpu.dma_semaphore, #tpu.memory_space<semaphore_mem>> -> memref<!tpu.dma_semaphore, #tpu.memory_space<semaphore_mem>>
      tpu.enqueue_indirect_dma source(%dma_start3A_84 : memref<10752x144xf32, #tpu.memory_space<hbm>>) target(%dma_start3A_78 : memref<48x144xf32, #tpu.memory_space<vmem>>) offsets(%dma_start3A_81 : memref<48xi32, #tpu.memory_space<vmem>>) semaphore(%dma_start3A_86 : memref<!tpu.dma_semaphore, #tpu.memory_space<semaphore_mem>>)
      %get3A_87 = arith.constant 48 : index
      %get3A_88 = tpu.vector_load %arg5[%get3A_87] {strides = array<i32>} : memref<11664xi32, #tpu.memory_space<vmem>>, vector<16xi32>,
      %get3A_89 = vector.shape_cast %get3A_88 : vector<16xi32> to vector<16xi32>
      %shift_right_logical3A_90 = arith.constant 14 : i32
      %shift_right_logical3A_91 = vector.broadcast %shift_right_logical3A_90 : i32 to vector<16xi32>
      %shift_right_logical3A_92 = arith.shrui %get3A_89, %shift_right_logical3A_91 : vector<16xi32>
      %swap3A_93 = arith.constant 1 : i32
      %swap3A_94 = arith.index_cast %swap3A_93 : i32 to index
      %swap3A_95 = arith.constant 0 : index
      %swap3A_96 = tpu.vector_load %arg6[%swap3A_94, %swap3A_95] {strides = array<i32>} : memref<3x48xi32, #tpu.memory_space<vmem>>, vector<1x16xi32>,
      %swap3A_97 = vector.shape_cast %swap3A_96 : vector<1x16xi32> to vector<16xi32>
      %swap3A_98 = vector.shape_cast %shift_right_logical3A_92 : vector<16xi32> to vector<1x16xi32>
      tpu.vector_store %arg6[%swap3A_94, %swap3A_95], %swap3A_98 {strides = array<i32>} : memref<3x48xi32, #tpu.memory_space<vmem>>, vector<1x16xi32>,
      %and3A_99 = arith.constant 16383 : i32
      %and3A_100 = vector.broadcast %and3A_99 : i32 to vector<16xi32>
      %and3A_101 = arith.andi %get3A_89, %and3A_100 : vector<16xi32>
      %swap3A_102 = arith.constant 1 : i32
      %swap3A_103 = arith.index_cast %swap3A_102 : i32 to index
      %swap3A_104 = arith.constant 0 : index
      %swap3A_105 = tpu.vector_load %arg7[%swap3A_103, %swap3A_104] {strides = array<i32>} : memref<3x48xi32, #tpu.memory_space<vmem>>, vector<1x16xi32>,
      %swap3A_106 = vector.shape_cast %swap3A_105 : vector<1x16xi32> to vector<16xi32>
      %swap3A_107 = vector.shape_cast %and3A_101 : vector<16xi32> to vector<1x16xi32>
      tpu.vector_store %arg7[%swap3A_103, %swap3A_104], %swap3A_107 {strides = array<i32>} : memref<3x48xi32, #tpu.memory_space<vmem>>, vector<1x16xi32>,
      %get3A_108 = arith.constant 64 : index
      %get3A_109 = tpu.vector_load %arg5[%get3A_108] {strides = array<i32>} : memref<11664xi32, #tpu.memory_space<vmem>>, vector<16xi32>,
      %get3A_110 = vector.shape_cast %get3A_109 : vector<16xi32> to vector<16xi32>
      %shift_right_logical3A_111 = arith.constant 14 : i32
      %shift_right_logical3A_112 = vector.broadcast %shift_right_logical3A_111 : i32 to vector<16xi32>
      %shift_right_logical3A_113 = arith.shrui %get3A_110, %shift_right_logical3A_112 : vector<16xi32>
      %swap3A_114 = arith.constant 1 : i32
      %swap3A_115 = arith.index_cast %swap3A_114 : i32 to index
      %swap3A_116 = arith.constant 16 : index
      %swap3A_117 = tpu.vector_load %arg6[%swap3A_115, %swap3A_116] {strides = array<i32>} : memref<3x48xi32, #tpu.memory_space<vmem>>, vector<1x16xi32>,
      %swap3A_118 = vector.shape_cast %swap3A_117 : vector<1x16xi32> to vector<16xi32>
      %swap3A_119 = vector.shape_cast %shift_right_logical3A_113 : vector<16xi32> to vector<1x16xi32>
      tpu.vector_store %arg6[%swap3A_115, %swap3A_116], %swap3A_119 {strides = array<i32>} : memref<3x48xi32, #tpu.memory_space<vmem>>, vector<1x16xi32>,
      %and3A_120 = arith.constant 16383 : i32
      %and3A_121 = vector.broadcast %and3A_120 : i32 to vector<16xi32>
      %and3A_122 = arith.andi %get3A_110, %and3A_121 : vector<16xi32>
      %swap3A_123 = arith.constant 1 : i32
      %swap3A_124 = arith.index_cast %swap3A_123 : i32 to index
      %swap3A_125 = arith.constant 16 : index
      %swap3A_126 = tpu.vector_load %arg7[%swap3A_124, %swap3A_125] {strides = array<i32>} : memref<3x48xi32, #tpu.memory_space<vmem>>, vector<1x16xi32>,
      %swap3A_127 = vector.shape_cast %swap3A_126 : vector<1x16xi32> to vector<16xi32>
      %swap3A_128 = vector.shape_cast %and3A_122 : vector<16xi32> to vector<1x16xi32>
      tpu.vector_store %arg7[%swap3A_124, %swap3A_125], %swap3A_128 {strides = array<i32>} : memref<3x48xi32, #tpu.memory_space<vmem>>, vector<1x16xi32>,
      %get3A_129 = arith.constant 80 : index
      %get3A_130 = tpu.vector_load %arg5[%get3A_129] {strides = array<i32>} : memref<11664xi32, #tpu.memory_space<vmem>>, vector<16xi32>,
      %get3A_131 = vector.shape_cast %get3A_130 : vector<16xi32> to vector<16xi32>
      %shift_right_logical3A_132 = arith.constant 14 : i32
      %shift_right_logical3A_133 = vector.broadcast %shift_right_logical3A_132 : i32 to vector<16xi32>
      %shift_right_logical3A_134 = arith.shrui %get3A_131, %shift_right_logical3A_133 : vector<16xi32>
      %swap3A_135 = arith.constant 1 : i32
      %swap3A_136 = arith.index_cast %swap3A_135 : i32 to index
      %swap3A_137 = arith.constant 32 : index
      %swap3A_138 = tpu.vector_load %arg6[%swap3A_136, %swap3A_137] {strides = array<i32>} : memref<3x48xi32, #tpu.memory_space<vmem>>, vector<1x16xi32>,
      %swap3A_139 = vector.shape_cast %swap3A_138 : vector<1x16xi32> to vector<16xi32>
      %swap3A_140 = vector.shape_cast %shift_right_logical3A_134 : vector<16xi32> to vector<1x16xi32>
      tpu.vector_store %arg6[%swap3A_136, %swap3A_137], %swap3A_140 {strides = array<i32>} : memref<3x48xi32, #tpu.memory_space<vmem>>, vector<1x16xi32>,
      %and3A_141 = arith.constant 16383 : i32
      %and3A_142 = vector.broadcast %and3A_141 : i32 to vector<16xi32>
      %and3A_143 = arith.andi %get3A_131, %and3A_142 : vector<16xi32>
      %swap3A_144 = arith.constant 1 : i32
      %swap3A_145 = arith.index_cast %swap3A_144 : i32 to index
      %swap3A_146 = arith.constant 32 : index
      %swap3A_147 = tpu.vector_load %arg7[%swap3A_145, %swap3A_146] {strides = array<i32>} : memref<3x48xi32, #tpu.memory_space<vmem>>, vector<1x16xi32>,
      %swap3A_148 = vector.shape_cast %swap3A_147 : vector<1x16xi32> to vector<16xi32>
      %swap3A_149 = vector.shape_cast %and3A_143 : vector<16xi32> to vector<1x16xi32>
      tpu.vector_store %arg7[%swap3A_145, %swap3A_146], %swap3A_149 {strides = array<i32>} : memref<3x48xi32, #tpu.memory_space<vmem>>, vector<1x16xi32>,
      %dma_start3A_150 = arith.constant 1 : i32
      %dma_start3A_151 = arith.constant 1 : i32
      %dma_start3A_152 = arith.constant 1 : i32
      %dma_start3A_153 = arith.constant 0 : i32
      %dma_start3A_154 = arith.constant 0 : i32
      %dma_start3A_155 = tpu.memref_slice %arg8[%dma_start3A_151, %dma_start3A_153, %dma_start3A_154] : memref<3x48x144xf32, #tpu.memory_space<vmem>> -> memref<1x48x144xf32, #tpu.memory_space<vmem>>
      %dma_start3A_156 = tpu.memref_squeeze %dma_start3A_155 : memref<1x48x144xf32, #tpu.memory_space<vmem>> -> memref<48x144xf32, #tpu.memory_space<vmem>>
      %dma_start3A_157 = arith.constant 0 : i32
      %dma_start3A_158 = tpu.memref_slice %arg6[%dma_start3A_150, %dma_start3A_157] : memref<3x48xi32, #tpu.memory_space<vmem>> -> memref<1x48xi32, #tpu.memory_space<vmem>>
      %dma_start3A_159 = tpu.memref_squeeze %dma_start3A_158 : memref<1x48xi32, #tpu.memory_space<vmem>> -> memref<48xi32, #tpu.memory_space<vmem>>
      %dma_start3A_160 = arith.constant 0 : i32
      %dma_start3A_161 = arith.constant 0 : i32
      %dma_start3A_162 = tpu.memref_slice %arg2[%dma_start3A_160, %dma_start3A_161] : memref<10752x144xf32, #tpu.memory_space<hbm>> -> memref<10752x144xf32, #tpu.memory_space<hbm>>
      %dma_start3A_163 = tpu.memref_slice %arg10[%dma_start3A_152] : memref<3x!tpu.dma_semaphore, #tpu.memory_space<semaphore_mem>> -> memref<1x!tpu.dma_semaphore, #tpu.memory_space<semaphore_mem>>
      %dma_start3A_164 = tpu.memref_squeeze %dma_start3A_163 : memref<1x!tpu.dma_semaphore, #tpu.memory_space<semaphore_mem>> -> memref<!tpu.dma_semaphore, #tpu.memory_space<semaphore_mem>>
      tpu.enqueue_indirect_dma source(%dma_start3A_162 : memref<10752x144xf32, #tpu.memory_space<hbm>>) target(%dma_start3A_156 : memref<48x144xf32, #tpu.memory_space<vmem>>) offsets(%dma_start3A_159 : memref<48xi32, #tpu.memory_space<vmem>>) semaphore(%dma_start3A_164 : memref<!tpu.dma_semaphore, #tpu.memory_space<semaphore_mem>>)
      %scan3A = arith.constant 0 : i32
      %scan3A_165 = arith.constant 58 : i32
      %scan3A_166 = arith.addi %scan3A, %scan3A_165 : i32
      %scan3A_167 = arith.constant 1 : i32
      scf.for %scan3A_183 = %scan3A to %scan3A_166 step %scan3A_167  : i32 {
        %mul3A_184 = arith.constant 3 : i32
        %mul3A_185 = arith.muli %mul3A_184, %scan3A_183 : i32
        %add3A_186 = arith.constant 0 : i32
        %add3A_187 = arith.addi %mul3A_185, %add3A_186 : i32
        %ge3A = arith.constant 1 : i32
        %ge3A_188 = arith.cmpi sge, %add3A_187, %ge3A : i32
        %convert_element_type3A_189 = arith.extui %ge3A_188 : i1 to i32
        %cond3A_190 = arith.constant 0 : i32
        %cond3A_191 = arith.cmpi ne, %convert_element_type3A_189, %cond3A_190 : i32
        scf.if %cond3A_191 {
          %sub3A = arith.constant 1 : i32
          %sub3A_320 = arith.subi %add3A_187, %sub3A : i32
          %dma_wait3A_321 = arith.constant 2 : i32
          %dma_wait3A_322 = arith.constant 2 : i32
          %dma_wait3A_323 = arith.constant 2 : i32
          %dma_wait3A_324 = arith.constant 0 : i32
          %dma_wait3A_325 = arith.constant 0 : i32
          %dma_wait3A_326 = tpu.memref_slice %arg8[%dma_wait3A_321, %dma_wait3A_324, %dma_wait3A_325] : memref<3x48x144xf32, #tpu.memory_space<vmem>> -> memref<1x48x144xf32, #tpu.memory_space<vmem>>
          %dma_wait3A_327 = tpu.memref_squeeze %dma_wait3A_326 : memref<1x48x144xf32, #tpu.memory_space<vmem>> -> memref<48x144xf32, #tpu.memory_space<vmem>>
          %dma_wait3A_328 = arith.constant 0 : i32
          %dma_wait3A_329 = tpu.memref_slice %arg7[%dma_wait3A_322, %dma_wait3A_328] : memref<3x48xi32, #tpu.memory_space<vmem>> -> memref<1x48xi32, #tpu.memory_space<vmem>>
          %dma_wait3A_330 = tpu.memref_squeeze %dma_wait3A_329 : memref<1x48xi32, #tpu.memory_space<vmem>> -> memref<48xi32, #tpu.memory_space<vmem>>
          %dma_wait3A_331 = arith.constant 0 : i32
          %dma_wait3A_332 = arith.constant 0 : i32
          %dma_wait3A_333 = tpu.memref_slice %arg9[%dma_wait3A_331, %dma_wait3A_332] : memref<10000x144xf32, #tpu.memory_space<vmem_shared>> -> memref<10000x144xf32, #tpu.memory_space<vmem_shared>>
          %dma_wait3A_334 = tpu.memref_slice %arg11[%dma_wait3A_323] : memref<3x!tpu.dma_semaphore, #tpu.memory_space<semaphore_mem>> -> memref<1x!tpu.dma_semaphore, #tpu.memory_space<semaphore_mem>>
          %dma_wait3A_335 = tpu.memref_squeeze %dma_wait3A_334 : memref<1x!tpu.dma_semaphore, #tpu.memory_space<semaphore_mem>> -> memref<!tpu.dma_semaphore, #tpu.memory_space<semaphore_mem>>
          tpu.wait_indirect_dma semaphore(%dma_wait3A_335 : memref<!tpu.dma_semaphore, #tpu.memory_space<semaphore_mem>>) src(%dma_wait3A_327 : memref<48x144xf32, #tpu.memory_space<vmem>>) dst(%dma_wait3A_333 : memref<10000x144xf32, #tpu.memory_space<vmem_shared>>)
        } else {
        }
        %add3A_192 = arith.constant 2 : i32
        %add3A_193 = arith.addi %add3A_187, %add3A_192 : i32
        %lt3A = arith.constant 174 : i32
        %lt3A_194 = arith.cmpi slt, %add3A_193, %lt3A : i32
        %convert_element_type3A_195 = arith.extui %lt3A_194 : i1 to i32
        %cond3A_196 = arith.constant 0 : i32
        %cond3A_197 = arith.cmpi ne, %convert_element_type3A_195, %cond3A_196 : i32
        scf.if %cond3A_197 {
          %add3A_320 = arith.constant 2 : i32
          %add3A_321 = arith.addi %add3A_187, %add3A_320 : i32
          %mul3A_322 = arith.constant 48 : i32
          %mul3A_323 = arith.muli %add3A_321, %mul3A_322 : i32
          %add3A_324 = arith.constant 0 : i32
          %add3A_325 = arith.addi %mul3A_323, %add3A_324 : i32
          %get3A_326 = arith.index_cast %add3A_325 : i32 to index
          %get3A_327 = tpu.vector_load %arg5[%get3A_326] {strides = array<i32>} : memref<11664xi32, #tpu.memory_space<vmem>>, vector<16xi32>,
          %get3A_328 = vector.shape_cast %get3A_327 : vector<16xi32> to vector<16xi32>
          %shift_right_logical3A_329 = arith.constant 14 : i32
          %shift_right_logical3A_330 = vector.broadcast %shift_right_logical3A_329 : i32 to vector<16xi32>
          %shift_right_logical3A_331 = arith.shrui %get3A_328, %shift_right_logical3A_330 : vector<16xi32>
          %swap3A_332 = arith.constant 2 : i32
          %swap3A_333 = arith.index_cast %swap3A_332 : i32 to index
          %swap3A_334 = arith.constant 0 : index
          %swap3A_335 = tpu.vector_load %arg6[%swap3A_333, %swap3A_334] {strides = array<i32>} : memref<3x48xi32, #tpu.memory_space<vmem>>, vector<1x16xi32>,
          %swap3A_336 = vector.shape_cast %swap3A_335 : vector<1x16xi32> to vector<16xi32>
          %swap3A_337 = vector.shape_cast %shift_right_logical3A_331 : vector<16xi32> to vector<1x16xi32>
          tpu.vector_store %arg6[%swap3A_333, %swap3A_334], %swap3A_337 {strides = array<i32>} : memref<3x48xi32, #tpu.memory_space<vmem>>, vector<1x16xi32>,
          %and3A_338 = arith.constant 16383 : i32
          %and3A_339 = vector.broadcast %and3A_338 : i32 to vector<16xi32>
          %and3A_340 = arith.andi %get3A_328, %and3A_339 : vector<16xi32>
          %swap3A_341 = arith.constant 2 : i32
          %swap3A_342 = arith.index_cast %swap3A_341 : i32 to index
          %swap3A_343 = arith.constant 0 : index
          %swap3A_344 = tpu.vector_load %arg7[%swap3A_342, %swap3A_343] {strides = array<i32>} : memref<3x48xi32, #tpu.memory_space<vmem>>, vector<1x16xi32>,
          %swap3A_345 = vector.shape_cast %swap3A_344 : vector<1x16xi32> to vector<16xi32>
          %swap3A_346 = vector.shape_cast %and3A_340 : vector<16xi32> to vector<1x16xi32>
          tpu.vector_store %arg7[%swap3A_342, %swap3A_343], %swap3A_346 {strides = array<i32>} : memref<3x48xi32, #tpu.memory_space<vmem>>, vector<1x16xi32>,
          %mul3A_347 = arith.constant 48 : i32
          %mul3A_348 = arith.muli %add3A_321, %mul3A_347 : i32
          %add3A_349 = arith.constant 16 : i32
          %add3A_350 = arith.addi %mul3A_348, %add3A_349 : i32
          %get3A_351 = arith.index_cast %add3A_350 : i32 to index
          %get3A_352 = tpu.vector_load %arg5[%get3A_351] {strides = array<i32>} : memref<11664xi32, #tpu.memory_space<vmem>>, vector<16xi32>,
          %get3A_353 = vector.shape_cast %get3A_352 : vector<16xi32> to vector<16xi32>
          %shift_right_logical3A_354 = arith.constant 14 : i32
          %shift_right_logical3A_355 = vector.broadcast %shift_right_logical3A_354 : i32 to vector<16xi32>
          %shift_right_logical3A_356 = arith.shrui %get3A_353, %shift_right_logical3A_355 : vector<16xi32>
          %swap3A_357 = arith.constant 2 : i32
          %swap3A_358 = arith.index_cast %swap3A_357 : i32 to index
          %swap3A_359 = arith.constant 16 : index
          %swap3A_360 = tpu.vector_load %arg6[%swap3A_358, %swap3A_359] {strides = array<i32>} : memref<3x48xi32, #tpu.memory_space<vmem>>, vector<1x16xi32>,
          %swap3A_361 = vector.shape_cast %swap3A_360 : vector<1x16xi32> to vector<16xi32>
          %swap3A_362 = vector.shape_cast %shift_right_logical3A_356 : vector<16xi32> to vector<1x16xi32>
          tpu.vector_store %arg6[%swap3A_358, %swap3A_359], %swap3A_362 {strides = array<i32>} : memref<3x48xi32, #tpu.memory_space<vmem>>, vector<1x16xi32>,
          %and3A_363 = arith.constant 16383 : i32
          %and3A_364 = vector.broadcast %and3A_363 : i32 to vector<16xi32>
          %and3A_365 = arith.andi %get3A_353, %and3A_364 : vector<16xi32>
          %swap3A_366 = arith.constant 2 : i32
          %swap3A_367 = arith.index_cast %swap3A_366 : i32 to index
          %swap3A_368 = arith.constant 16 : index
          %swap3A_369 = tpu.vector_load %arg7[%swap3A_367, %swap3A_368] {strides = array<i32>} : memref<3x48xi32, #tpu.memory_space<vmem>>, vector<1x16xi32>,
          %swap3A_370 = vector.shape_cast %swap3A_369 : vector<1x16xi32> to vector<16xi32>
          %swap3A_371 = vector.shape_cast %and3A_365 : vector<16xi32> to vector<1x16xi32>
          tpu.vector_store %arg7[%swap3A_367, %swap3A_368], %swap3A_371 {strides = array<i32>} : memref<3x48xi32, #tpu.memory_space<vmem>>, vector<1x16xi32>,
          %mul3A_372 = arith.constant 48 : i32
          %mul3A_373 = arith.muli %add3A_321, %mul3A_372 : i32
          %add3A_374 = arith.constant 32 : i32
          %add3A_375 = arith.addi %mul3A_373, %add3A_374 : i32
          %get3A_376 = arith.index_cast %add3A_375 : i32 to index
          %get3A_377 = tpu.vector_load %arg5[%get3A_376] {strides = array<i32>} : memref<11664xi32, #tpu.memory_space<vmem>>, vector<16xi32>,
          %get3A_378 = vector.shape_cast %get3A_377 : vector<16xi32> to vector<16xi32>
          %shift_right_logical3A_379 = arith.constant 14 : i32
          %shift_right_logical3A_380 = vector.broadcast %shift_right_logical3A_379 : i32 to vector<16xi32>
          %shift_right_logical3A_381 = arith.shrui %get3A_378, %shift_right_logical3A_380 : vector<16xi32>
          %swap3A_382 = arith.constant 2 : i32
          %swap3A_383 = arith.index_cast %swap3A_382 : i32 to index
          %swap3A_384 = arith.constant 32 : index
          %swap3A_385 = tpu.vector_load %arg6[%swap3A_383, %swap3A_384] {strides = array<i32>} : memref<3x48xi32, #tpu.memory_space<vmem>>, vector<1x16xi32>,
          %swap3A_386 = vector.shape_cast %swap3A_385 : vector<1x16xi32> to vector<16xi32>
          %swap3A_387 = vector.shape_cast %shift_right_logical3A_381 : vector<16xi32> to vector<1x16xi32>
          tpu.vector_store %arg6[%swap3A_383, %swap3A_384], %swap3A_387 {strides = array<i32>} : memref<3x48xi32, #tpu.memory_space<vmem>>, vector<1x16xi32>,
          %and3A_388 = arith.constant 16383 : i32
          %and3A_389 = vector.broadcast %and3A_388 : i32 to vector<16xi32>
          %and3A_390 = arith.andi %get3A_378, %and3A_389 : vector<16xi32>
          %swap3A_391 = arith.constant 2 : i32
          %swap3A_392 = arith.index_cast %swap3A_391 : i32 to index
          %swap3A_393 = arith.constant 32 : index
          %swap3A_394 = tpu.vector_load %arg7[%swap3A_392, %swap3A_393] {strides = array<i32>} : memref<3x48xi32, #tpu.memory_space<vmem>>, vector<1x16xi32>,
          %swap3A_395 = vector.shape_cast %swap3A_394 : vector<1x16xi32> to vector<16xi32>
          %swap3A_396 = vector.shape_cast %and3A_390 : vector<16xi32> to vector<1x16xi32>
          tpu.vector_store %arg7[%swap3A_392, %swap3A_393], %swap3A_396 {strides = array<i32>} : memref<3x48xi32, #tpu.memory_space<vmem>>, vector<1x16xi32>,
          %dma_start3A_397 = arith.constant 2 : i32
          %dma_start3A_398 = arith.constant 2 : i32
          %dma_start3A_399 = arith.constant 2 : i32
          %dma_start3A_400 = arith.constant 0 : i32
          %dma_start3A_401 = arith.constant 0 : i32
          %dma_start3A_402 = tpu.memref_slice %arg8[%dma_start3A_398, %dma_start3A_400, %dma_start3A_401] : memref<3x48x144xf32, #tpu.memory_space<vmem>> -> memref<1x48x144xf32, #tpu.memory_space<vmem>>
          %dma_start3A_403 = tpu.memref_squeeze %dma_start3A_402 : memref<1x48x144xf32, #tpu.memory_space<vmem>> -> memref<48x144xf32, #tpu.memory_space<vmem>>
          %dma_start3A_404 = arith.constant 0 : i32
          %dma_start3A_405 = tpu.memref_slice %arg6[%dma_start3A_397, %dma_start3A_404] : memref<3x48xi32, #tpu.memory_space<vmem>> -> memref<1x48xi32, #tpu.memory_space<vmem>>
          %dma_start3A_406 = tpu.memref_squeeze %dma_start3A_405 : memref<1x48xi32, #tpu.memory_space<vmem>> -> memref<48xi32, #tpu.memory_space<vmem>>
          %dma_start3A_407 = arith.constant 0 : i32
          %dma_start3A_408 = arith.constant 0 : i32
          %dma_start3A_409 = tpu.memref_slice %arg2[%dma_start3A_407, %dma_start3A_408] : memref<10752x144xf32, #tpu.memory_space<hbm>> -> memref<10752x144xf32, #tpu.memory_space<hbm>>
          %dma_start3A_410 = tpu.memref_slice %arg10[%dma_start3A_399] : memref<3x!tpu.dma_semaphore, #tpu.memory_space<semaphore_mem>> -> memref<1x!tpu.dma_semaphore, #tpu.memory_space<semaphore_mem>>
          %dma_start3A_411 = tpu.memref_squeeze %dma_start3A_410 : memref<1x!tpu.dma_semaphore, #tpu.memory_space<semaphore_mem>> -> memref<!tpu.dma_semaphore, #tpu.memory_space<semaphore_mem>>
          tpu.enqueue_indirect_dma source(%dma_start3A_409 : memref<10752x144xf32, #tpu.memory_space<hbm>>) target(%dma_start3A_403 : memref<48x144xf32, #tpu.memory_space<vmem>>) offsets(%dma_start3A_406 : memref<48xi32, #tpu.memory_space<vmem>>) semaphore(%dma_start3A_411 : memref<!tpu.dma_semaphore, #tpu.memory_space<semaphore_mem>>)
        } else {
        }
        %dma_wait3A_198 = arith.constant 0 : i32
        %dma_wait3A_199 = arith.constant 0 : i32
        %dma_wait3A_200 = arith.constant 0 : i32
        %dma_wait3A_201 = arith.constant 0 : i32
        %dma_wait3A_202 = arith.constant 0 : i32
        %dma_wait3A_203 = tpu.memref_slice %arg8[%dma_wait3A_199, %dma_wait3A_201, %dma_wait3A_202] : memref<3x48x144xf32, #tpu.memory_space<vmem>> -> memref<1x48x144xf32, #tpu.memory_space<vmem>>
        %dma_wait3A_204 = tpu.memref_squeeze %dma_wait3A_203 : memref<1x48x144xf32, #tpu.memory_space<vmem>> -> memref<48x144xf32, #tpu.memory_space<vmem>>
        %dma_wait3A_205 = arith.constant 0 : i32
        %dma_wait3A_206 = tpu.memref_slice %arg6[%dma_wait3A_198, %dma_wait3A_205] : memref<3x48xi32, #tpu.memory_space<vmem>> -> memref<1x48xi32, #tpu.memory_space<vmem>>
        %dma_wait3A_207 = tpu.memref_squeeze %dma_wait3A_206 : memref<1x48xi32, #tpu.memory_space<vmem>> -> memref<48xi32, #tpu.memory_space<vmem>>
        %dma_wait3A_208 = arith.constant 0 : i32
        %dma_wait3A_209 = arith.constant 0 : i32
        %dma_wait3A_210 = tpu.memref_slice %arg2[%dma_wait3A_208, %dma_wait3A_209] : memref<10752x144xf32, #tpu.memory_space<hbm>> -> memref<10752x144xf32, #tpu.memory_space<hbm>>
        %dma_wait3A_211 = tpu.memref_slice %arg10[%dma_wait3A_200] : memref<3x!tpu.dma_semaphore, #tpu.memory_space<semaphore_mem>> -> memref<1x!tpu.dma_semaphore, #tpu.memory_space<semaphore_mem>>
        %dma_wait3A_212 = tpu.memref_squeeze %dma_wait3A_211 : memref<1x!tpu.dma_semaphore, #tpu.memory_space<semaphore_mem>> -> memref<!tpu.dma_semaphore, #tpu.memory_space<semaphore_mem>>
        tpu.wait_indirect_dma semaphore(%dma_wait3A_212 : memref<!tpu.dma_semaphore, #tpu.memory_space<semaphore_mem>>) src(%dma_wait3A_210 : memref<10752x144xf32, #tpu.memory_space<hbm>>) dst(%dma_wait3A_204 : memref<48x144xf32, #tpu.memory_space<vmem>>)
        %dma_start3A_213 = arith.constant 0 : i32
        %dma_start3A_214 = arith.constant 0 : i32
        %dma_start3A_215 = arith.constant 0 : i32
        %dma_start3A_216 = arith.constant 0 : i32
        %dma_start3A_217 = arith.constant 0 : i32
        %dma_start3A_218 = tpu.memref_slice %arg8[%dma_start3A_213, %dma_start3A_216, %dma_start3A_217] : memref<3x48x144xf32, #tpu.memory_space<vmem>> -> memref<1x48x144xf32, #tpu.memory_space<vmem>>
        %dma_start3A_219 = tpu.memref_squeeze %dma_start3A_218 : memref<1x48x144xf32, #tpu.memory_space<vmem>> -> memref<48x144xf32, #tpu.memory_space<vmem>>
        %dma_start3A_220 = arith.constant 0 : i32
        %dma_start3A_221 = tpu.memref_slice %arg7[%dma_start3A_214, %dma_start3A_220] : memref<3x48xi32, #tpu.memory_space<vmem>> -> memref<1x48xi32, #tpu.memory_space<vmem>>
        %dma_start3A_222 = tpu.memref_squeeze %dma_start3A_221 : memref<1x48xi32, #tpu.memory_space<vmem>> -> memref<48xi32, #tpu.memory_space<vmem>>
        %dma_start3A_223 = arith.constant 0 : i32
        %dma_start3A_224 = arith.constant 0 : i32
        %dma_start3A_225 = tpu.memref_slice %arg9[%dma_start3A_223, %dma_start3A_224] : memref<10000x144xf32, #tpu.memory_space<vmem_shared>> -> memref<10000x144xf32, #tpu.memory_space<vmem_shared>>
        %dma_start3A_226 = tpu.memref_slice %arg11[%dma_start3A_215] : memref<3x!tpu.dma_semaphore, #tpu.memory_space<semaphore_mem>> -> memref<1x!tpu.dma_semaphore, #tpu.memory_space<semaphore_mem>>
        %dma_start3A_227 = tpu.memref_squeeze %dma_start3A_226 : memref<1x!tpu.dma_semaphore, #tpu.memory_space<semaphore_mem>> -> memref<!tpu.dma_semaphore, #tpu.memory_space<semaphore_mem>>
        tpu.enqueue_indirect_dma source(%dma_start3A_219 : memref<48x144xf32, #tpu.memory_space<vmem>>) target(%dma_start3A_225 : memref<10000x144xf32, #tpu.memory_space<vmem_shared>>) offsets(%dma_start3A_222 : memref<48xi32, #tpu.memory_space<vmem>>) semaphore(%dma_start3A_227 : memref<!tpu.dma_semaphore, #tpu.memory_space<semaphore_mem>>) {add = true}
        %mul3A_228 = arith.constant 3 : i32
        %mul3A_229 = arith.muli %mul3A_228, %scan3A_183 : i32
        %add3A_230 = arith.constant 1 : i32
        %add3A_231 = arith.addi %mul3A_229, %add3A_230 : i32
        %ge3A_232 = arith.constant 1 : i32
        %ge3A_233 = arith.cmpi sge, %add3A_231, %ge3A_232 : i32
        %convert_element_type3A_234 = arith.extui %ge3A_233 : i1 to i32
        %cond3A_235 = arith.constant 0 : i32
        %cond3A_236 = arith.cmpi ne, %convert_element_type3A_234, %cond3A_235 : i32
        scf.if %cond3A_236 {
          %sub3A = arith.constant 1 : i32
          %sub3A_320 = arith.subi %add3A_231, %sub3A : i32
          %dma_wait3A_321 = arith.constant 0 : i32
          %dma_wait3A_322 = arith.constant 0 : i32
          %dma_wait3A_323 = arith.constant 0 : i32
          %dma_wait3A_324 = arith.constant 0 : i32
          %dma_wait3A_325 = arith.constant 0 : i32
          %dma_wait3A_326 = tpu.memref_slice %arg8[%dma_wait3A_321, %dma_wait3A_324, %dma_wait3A_325] : memref<3x48x144xf32, #tpu.memory_space<vmem>> -> memref<1x48x144xf32, #tpu.memory_space<vmem>>
          %dma_wait3A_327 = tpu.memref_squeeze %dma_wait3A_326 : memref<1x48x144xf32, #tpu.memory_space<vmem>> -> memref<48x144xf32, #tpu.memory_space<vmem>>
          %dma_wait3A_328 = arith.constant 0 : i32
          %dma_wait3A_329 = tpu.memref_slice %arg7[%dma_wait3A_322, %dma_wait3A_328] : memref<3x48xi32, #tpu.memory_space<vmem>> -> memref<1x48xi32, #tpu.memory_space<vmem>>
          %dma_wait3A_330 = tpu.memref_squeeze %dma_wait3A_329 : memref<1x48xi32, #tpu.memory_space<vmem>> -> memref<48xi32, #tpu.memory_space<vmem>>
          %dma_wait3A_331 = arith.constant 0 : i32
          %dma_wait3A_332 = arith.constant 0 : i32
          %dma_wait3A_333 = tpu.memref_slice %arg9[%dma_wait3A_331, %dma_wait3A_332] : memref<10000x144xf32, #tpu.memory_space<vmem_shared>> -> memref<10000x144xf32, #tpu.memory_space<vmem_shared>>
          %dma_wait3A_334 = tpu.memref_slice %arg11[%dma_wait3A_323] : memref<3x!tpu.dma_semaphore, #tpu.memory_space<semaphore_mem>> -> memref<1x!tpu.dma_semaphore, #tpu.memory_space<semaphore_mem>>
          %dma_wait3A_335 = tpu.memref_squeeze %dma_wait3A_334 : memref<1x!tpu.dma_semaphore, #tpu.memory_space<semaphore_mem>> -> memref<!tpu.dma_semaphore, #tpu.memory_space<semaphore_mem>>
          tpu.wait_indirect_dma semaphore(%dma_wait3A_335 : memref<!tpu.dma_semaphore, #tpu.memory_space<semaphore_mem>>) src(%dma_wait3A_327 : memref<48x144xf32, #tpu.memory_space<vmem>>) dst(%dma_wait3A_333 : memref<10000x144xf32, #tpu.memory_space<vmem_shared>>)
        } else {
        }
        %add3A_237 = arith.constant 2 : i32
        %add3A_238 = arith.addi %add3A_231, %add3A_237 : i32
        %lt3A_239 = arith.constant 174 : i32
        %lt3A_240 = arith.cmpi slt, %add3A_238, %lt3A_239 : i32
        %convert_element_type3A_241 = arith.extui %lt3A_240 : i1 to i32
        %cond3A_242 = arith.constant 0 : i32
        %cond3A_243 = arith.cmpi ne, %convert_element_type3A_241, %cond3A_242 : i32
        scf.if %cond3A_243 {
          %add3A_320 = arith.constant 2 : i32
          %add3A_321 = arith.addi %add3A_231, %add3A_320 : i32
          %mul3A_322 = arith.constant 48 : i32
          %mul3A_323 = arith.muli %add3A_321, %mul3A_322 : i32
          %add3A_324 = arith.constant 0 : i32
          %add3A_325 = arith.addi %mul3A_323, %add3A_324 : i32
          %get3A_326 = arith.index_cast %add3A_325 : i32 to index
          %get3A_327 = tpu.vector_load %arg5[%get3A_326] {strides = array<i32>} : memref<11664xi32, #tpu.memory_space<vmem>>, vector<16xi32>,
          %get3A_328 = vector.shape_cast %get3A_327 : vector<16xi32> to vector<16xi32>
          %shift_right_logical3A_329 = arith.constant 14 : i32
          %shift_right_logical3A_330 = vector.broadcast %shift_right_logical3A_329 : i32 to vector<16xi32>
          %shift_right_logical3A_331 = arith.shrui %get3A_328, %shift_right_logical3A_330 : vector<16xi32>
          %swap3A_332 = arith.constant 0 : i32
          %swap3A_333 = arith.index_cast %swap3A_332 : i32 to index
          %swap3A_334 = arith.constant 0 : index
          %swap3A_335 = tpu.vector_load %arg6[%swap3A_333, %swap3A_334] {strides = array<i32>} : memref<3x48xi32, #tpu.memory_space<vmem>>, vector<1x16xi32>,
          %swap3A_336 = vector.shape_cast %swap3A_335 : vector<1x16xi32> to vector<16xi32>
          %swap3A_337 = vector.shape_cast %shift_right_logical3A_331 : vector<16xi32> to vector<1x16xi32>
          tpu.vector_store %arg6[%swap3A_333, %swap3A_334], %swap3A_337 {strides = array<i32>} : memref<3x48xi32, #tpu.memory_space<vmem>>, vector<1x16xi32>,
          %and3A_338 = arith.constant 16383 : i32
          %and3A_339 = vector.broadcast %and3A_338 : i32 to vector<16xi32>
          %and3A_340 = arith.andi %get3A_328, %and3A_339 : vector<16xi32>
          %swap3A_341 = arith.constant 0 : i32
          %swap3A_342 = arith.index_cast %swap3A_341 : i32 to index
          %swap3A_343 = arith.constant 0 : index
          %swap3A_344 = tpu.vector_load %arg7[%swap3A_342, %swap3A_343] {strides = array<i32>} : memref<3x48xi32, #tpu.memory_space<vmem>>, vector<1x16xi32>,
          %swap3A_345 = vector.shape_cast %swap3A_344 : vector<1x16xi32> to vector<16xi32>
          %swap3A_346 = vector.shape_cast %and3A_340 : vector<16xi32> to vector<1x16xi32>
          tpu.vector_store %arg7[%swap3A_342, %swap3A_343], %swap3A_346 {strides = array<i32>} : memref<3x48xi32, #tpu.memory_space<vmem>>, vector<1x16xi32>,
          %mul3A_347 = arith.constant 48 : i32
          %mul3A_348 = arith.muli %add3A_321, %mul3A_347 : i32
          %add3A_349 = arith.constant 16 : i32
          %add3A_350 = arith.addi %mul3A_348, %add3A_349 : i32
          %get3A_351 = arith.index_cast %add3A_350 : i32 to index
          %get3A_352 = tpu.vector_load %arg5[%get3A_351] {strides = array<i32>} : memref<11664xi32, #tpu.memory_space<vmem>>, vector<16xi32>,
          %get3A_353 = vector.shape_cast %get3A_352 : vector<16xi32> to vector<16xi32>
          %shift_right_logical3A_354 = arith.constant 14 : i32
          %shift_right_logical3A_355 = vector.broadcast %shift_right_logical3A_354 : i32 to vector<16xi32>
          %shift_right_logical3A_356 = arith.shrui %get3A_353, %shift_right_logical3A_355 : vector<16xi32>
          %swap3A_357 = arith.constant 0 : i32
          %swap3A_358 = arith.index_cast %swap3A_357 : i32 to index
          %swap3A_359 = arith.constant 16 : index
          %swap3A_360 = tpu.vector_load %arg6[%swap3A_358, %swap3A_359] {strides = array<i32>} : memref<3x48xi32, #tpu.memory_space<vmem>>, vector<1x16xi32>,
          %swap3A_361 = vector.shape_cast %swap3A_360 : vector<1x16xi32> to vector<16xi32>
          %swap3A_362 = vector.shape_cast %shift_right_logical3A_356 : vector<16xi32> to vector<1x16xi32>
          tpu.vector_store %arg6[%swap3A_358, %swap3A_359], %swap3A_362 {strides = array<i32>} : memref<3x48xi32, #tpu.memory_space<vmem>>, vector<1x16xi32>,
          %and3A_363 = arith.constant 16383 : i32
          %and3A_364 = vector.broadcast %and3A_363 : i32 to vector<16xi32>
          %and3A_365 = arith.andi %get3A_353, %and3A_364 : vector<16xi32>
          %swap3A_366 = arith.constant 0 : i32
          %swap3A_367 = arith.index_cast %swap3A_366 : i32 to index
          %swap3A_368 = arith.constant 16 : index
          %swap3A_369 = tpu.vector_load %arg7[%swap3A_367, %swap3A_368] {strides = array<i32>} : memref<3x48xi32, #tpu.memory_space<vmem>>, vector<1x16xi32>,
          %swap3A_370 = vector.shape_cast %swap3A_369 : vector<1x16xi32> to vector<16xi32>
          %swap3A_371 = vector.shape_cast %and3A_365 : vector<16xi32> to vector<1x16xi32>
          tpu.vector_store %arg7[%swap3A_367, %swap3A_368], %swap3A_371 {strides = array<i32>} : memref<3x48xi32, #tpu.memory_space<vmem>>, vector<1x16xi32>,
          %mul3A_372 = arith.constant 48 : i32
          %mul3A_373 = arith.muli %add3A_321, %mul3A_372 : i32
          %add3A_374 = arith.constant 32 : i32
          %add3A_375 = arith.addi %mul3A_373, %add3A_374 : i32
          %get3A_376 = arith.index_cast %add3A_375 : i32 to index
          %get3A_377 = tpu.vector_load %arg5[%get3A_376] {strides = array<i32>} : memref<11664xi32, #tpu.memory_space<vmem>>, vector<16xi32>,
          %get3A_378 = vector.shape_cast %get3A_377 : vector<16xi32> to vector<16xi32>
          %shift_right_logical3A_379 = arith.constant 14 : i32
          %shift_right_logical3A_380 = vector.broadcast %shift_right_logical3A_379 : i32 to vector<16xi32>
          %shift_right_logical3A_381 = arith.shrui %get3A_378, %shift_right_logical3A_380 : vector<16xi32>
          %swap3A_382 = arith.constant 0 : i32
          %swap3A_383 = arith.index_cast %swap3A_382 : i32 to index
          %swap3A_384 = arith.constant 32 : index
          %swap3A_385 = tpu.vector_load %arg6[%swap3A_383, %swap3A_384] {strides = array<i32>} : memref<3x48xi32, #tpu.memory_space<vmem>>, vector<1x16xi32>,
          %swap3A_386 = vector.shape_cast %swap3A_385 : vector<1x16xi32> to vector<16xi32>
          %swap3A_387 = vector.shape_cast %shift_right_logical3A_381 : vector<16xi32> to vector<1x16xi32>
          tpu.vector_store %arg6[%swap3A_383, %swap3A_384], %swap3A_387 {strides = array<i32>} : memref<3x48xi32, #tpu.memory_space<vmem>>, vector<1x16xi32>,
          %and3A_388 = arith.constant 16383 : i32
          %and3A_389 = vector.broadcast %and3A_388 : i32 to vector<16xi32>
          %and3A_390 = arith.andi %get3A_378, %and3A_389 : vector<16xi32>
          %swap3A_391 = arith.constant 0 : i32
          %swap3A_392 = arith.index_cast %swap3A_391 : i32 to index
          %swap3A_393 = arith.constant 32 : index
          %swap3A_394 = tpu.vector_load %arg7[%swap3A_392, %swap3A_393] {strides = array<i32>} : memref<3x48xi32, #tpu.memory_space<vmem>>, vector<1x16xi32>,
          %swap3A_395 = vector.shape_cast %swap3A_394 : vector<1x16xi32> to vector<16xi32>
          %swap3A_396 = vector.shape_cast %and3A_390 : vector<16xi32> to vector<1x16xi32>
          tpu.vector_store %arg7[%swap3A_392, %swap3A_393], %swap3A_396 {strides = array<i32>} : memref<3x48xi32, #tpu.memory_space<vmem>>, vector<1x16xi32>,
          %dma_start3A_397 = arith.constant 0 : i32
          %dma_start3A_398 = arith.constant 0 : i32
          %dma_start3A_399 = arith.constant 0 : i32
          %dma_start3A_400 = arith.constant 0 : i32
          %dma_start3A_401 = arith.constant 0 : i32
          %dma_start3A_402 = tpu.memref_slice %arg8[%dma_start3A_398, %dma_start3A_400, %dma_start3A_401] : memref<3x48x144xf32, #tpu.memory_space<vmem>> -> memref<1x48x144xf32, #tpu.memory_space<vmem>>
          %dma_start3A_403 = tpu.memref_squeeze %dma_start3A_402 : memref<1x48x144xf32, #tpu.memory_space<vmem>> -> memref<48x144xf32, #tpu.memory_space<vmem>>
          %dma_start3A_404 = arith.constant 0 : i32
          %dma_start3A_405 = tpu.memref_slice %arg6[%dma_start3A_397, %dma_start3A_404] : memref<3x48xi32, #tpu.memory_space<vmem>> -> memref<1x48xi32, #tpu.memory_space<vmem>>
          %dma_start3A_406 = tpu.memref_squeeze %dma_start3A_405 : memref<1x48xi32, #tpu.memory_space<vmem>> -> memref<48xi32, #tpu.memory_space<vmem>>
          %dma_start3A_407 = arith.constant 0 : i32
          %dma_start3A_408 = arith.constant 0 : i32
          %dma_start3A_409 = tpu.memref_slice %arg2[%dma_start3A_407, %dma_start3A_408] : memref<10752x144xf32, #tpu.memory_space<hbm>> -> memref<10752x144xf32, #tpu.memory_space<hbm>>
          %dma_start3A_410 = tpu.memref_slice %arg10[%dma_start3A_399] : memref<3x!tpu.dma_semaphore, #tpu.memory_space<semaphore_mem>> -> memref<1x!tpu.dma_semaphore, #tpu.memory_space<semaphore_mem>>
          %dma_start3A_411 = tpu.memref_squeeze %dma_start3A_410 : memref<1x!tpu.dma_semaphore, #tpu.memory_space<semaphore_mem>> -> memref<!tpu.dma_semaphore, #tpu.memory_space<semaphore_mem>>
          tpu.enqueue_indirect_dma source(%dma_start3A_409 : memref<10752x144xf32, #tpu.memory_space<hbm>>) target(%dma_start3A_403 : memref<48x144xf32, #tpu.memory_space<vmem>>) offsets(%dma_start3A_406 : memref<48xi32, #tpu.memory_space<vmem>>) semaphore(%dma_start3A_411 : memref<!tpu.dma_semaphore, #tpu.memory_space<semaphore_mem>>)
        } else {
        }
        %dma_wait3A_244 = arith.constant 1 : i32
        %dma_wait3A_245 = arith.constant 1 : i32
        %dma_wait3A_246 = arith.constant 1 : i32
        %dma_wait3A_247 = arith.constant 0 : i32
        %dma_wait3A_248 = arith.constant 0 : i32
        %dma_wait3A_249 = tpu.memref_slice %arg8[%dma_wait3A_245, %dma_wait3A_247, %dma_wait3A_248] : memref<3x48x144xf32, #tpu.memory_space<vmem>> -> memref<1x48x144xf32, #tpu.memory_space<vmem>>
        %dma_wait3A_250 = tpu.memref_squeeze %dma_wait3A_249 : memref<1x48x144xf32, #tpu.memory_space<vmem>> -> memref<48x144xf32, #tpu.memory_space<vmem>>
        %dma_wait3A_251 = arith.constant 0 : i32
        %dma_wait3A_252 = tpu.memref_slice %arg6[%dma_wait3A_244, %dma_wait3A_251] : memref<3x48xi32, #tpu.memory_space<vmem>> -> memref<1x48xi32, #tpu.memory_space<vmem>>
        %dma_wait3A_253 = tpu.memref_squeeze %dma_wait3A_252 : memref<1x48xi32, #tpu.memory_space<vmem>> -> memref<48xi32, #tpu.memory_space<vmem>>
        %dma_wait3A_254 = arith.constant 0 : i32
        %dma_wait3A_255 = arith.constant 0 : i32
        %dma_wait3A_256 = tpu.memref_slice %arg2[%dma_wait3A_254, %dma_wait3A_255] : memref<10752x144xf32, #tpu.memory_space<hbm>> -> memref<10752x144xf32, #tpu.memory_space<hbm>>
        %dma_wait3A_257 = tpu.memref_slice %arg10[%dma_wait3A_246] : memref<3x!tpu.dma_semaphore, #tpu.memory_space<semaphore_mem>> -> memref<1x!tpu.dma_semaphore, #tpu.memory_space<semaphore_mem>>
        %dma_wait3A_258 = tpu.memref_squeeze %dma_wait3A_257 : memref<1x!tpu.dma_semaphore, #tpu.memory_space<semaphore_mem>> -> memref<!tpu.dma_semaphore, #tpu.memory_space<semaphore_mem>>
        tpu.wait_indirect_dma semaphore(%dma_wait3A_258 : memref<!tpu.dma_semaphore, #tpu.memory_space<semaphore_mem>>) src(%dma_wait3A_256 : memref<10752x144xf32, #tpu.memory_space<hbm>>) dst(%dma_wait3A_250 : memref<48x144xf32, #tpu.memory_space<vmem>>)
        %dma_start3A_259 = arith.constant 1 : i32
        %dma_start3A_260 = arith.constant 1 : i32
        %dma_start3A_261 = arith.constant 1 : i32
        %dma_start3A_262 = arith.constant 0 : i32
        %dma_start3A_263 = arith.constant 0 : i32
        %dma_start3A_264 = tpu.memref_slice %arg8[%dma_start3A_259, %dma_start3A_262, %dma_start3A_263] : memref<3x48x144xf32, #tpu.memory_space<vmem>> -> memref<1x48x144xf32, #tpu.memory_space<vmem>>
        %dma_start3A_265 = tpu.memref_squeeze %dma_start3A_264 : memref<1x48x144xf32, #tpu.memory_space<vmem>> -> memref<48x144xf32, #tpu.memory_space<vmem>>
        %dma_start3A_266 = arith.constant 0 : i32
        %dma_start3A_267 = tpu.memref_slice %arg7[%dma_start3A_260, %dma_start3A_266] : memref<3x48xi32, #tpu.memory_space<vmem>> -> memref<1x48xi32, #tpu.memory_space<vmem>>
        %dma_start3A_268 = tpu.memref_squeeze %dma_start3A_267 : memref<1x48xi32, #tpu.memory_space<vmem>> -> memref<48xi32, #tpu.memory_space<vmem>>
        %dma_start3A_269 = arith.constant 0 : i32
        %dma_start3A_270 = arith.constant 0 : i32
        %dma_start3A_271 = tpu.memref_slice %arg9[%dma_start3A_269, %dma_start3A_270] : memref<10000x144xf32, #tpu.memory_space<vmem_shared>> -> memref<10000x144xf32, #tpu.memory_space<vmem_shared>>
        %dma_start3A_272 = tpu.memref_slice %arg11[%dma_start3A_261] : memref<3x!tpu.dma_semaphore, #tpu.memory_space<semaphore_mem>> -> memref<1x!tpu.dma_semaphore, #tpu.memory_space<semaphore_mem>>
        %dma_start3A_273 = tpu.memref_squeeze %dma_start3A_272 : memref<1x!tpu.dma_semaphore, #tpu.memory_space<semaphore_mem>> -> memref<!tpu.dma_semaphore, #tpu.memory_space<semaphore_mem>>
        tpu.enqueue_indirect_dma source(%dma_start3A_265 : memref<48x144xf32, #tpu.memory_space<vmem>>) target(%dma_start3A_271 : memref<10000x144xf32, #tpu.memory_space<vmem_shared>>) offsets(%dma_start3A_268 : memref<48xi32, #tpu.memory_space<vmem>>) semaphore(%dma_start3A_273 : memref<!tpu.dma_semaphore, #tpu.memory_space<semaphore_mem>>) {add = true}
        %mul3A_274 = arith.constant 3 : i32
        %mul3A_275 = arith.muli %mul3A_274, %scan3A_183 : i32
        %add3A_276 = arith.constant 2 : i32
        %add3A_277 = arith.addi %mul3A_275, %add3A_276 : i32
        %ge3A_278 = arith.constant 1 : i32
        %ge3A_279 = arith.cmpi sge, %add3A_277, %ge3A_278 : i32
        %convert_element_type3A_280 = arith.extui %ge3A_279 : i1 to i32
        %cond3A_281 = arith.constant 0 : i32
        %cond3A_282 = arith.cmpi ne, %convert_element_type3A_280, %cond3A_281 : i32
        scf.if %cond3A_282 {
          %sub3A = arith.constant 1 : i32
          %sub3A_320 = arith.subi %add3A_277, %sub3A : i32
          %dma_wait3A_321 = arith.constant 1 : i32
          %dma_wait3A_322 = arith.constant 1 : i32
          %dma_wait3A_323 = arith.constant 1 : i32
          %dma_wait3A_324 = arith.constant 0 : i32
          %dma_wait3A_325 = arith.constant 0 : i32
          %dma_wait3A_326 = tpu.memref_slice %arg8[%dma_wait3A_321, %dma_wait3A_324, %dma_wait3A_325] : memref<3x48x144xf32, #tpu.memory_space<vmem>> -> memref<1x48x144xf32, #tpu.memory_space<vmem>>
          %dma_wait3A_327 = tpu.memref_squeeze %dma_wait3A_326 : memref<1x48x144xf32, #tpu.memory_space<vmem>> -> memref<48x144xf32, #tpu.memory_space<vmem>>
          %dma_wait3A_328 = arith.constant 0 : i32
          %dma_wait3A_329 = tpu.memref_slice %arg7[%dma_wait3A_322, %dma_wait3A_328] : memref<3x48xi32, #tpu.memory_space<vmem>> -> memref<1x48xi32, #tpu.memory_space<vmem>>
          %dma_wait3A_330 = tpu.memref_squeeze %dma_wait3A_329 : memref<1x48xi32, #tpu.memory_space<vmem>> -> memref<48xi32, #tpu.memory_space<vmem>>
          %dma_wait3A_331 = arith.constant 0 : i32
          %dma_wait3A_332 = arith.constant 0 : i32
          %dma_wait3A_333 = tpu.memref_slice %arg9[%dma_wait3A_331, %dma_wait3A_332] : memref<10000x144xf32, #tpu.memory_space<vmem_shared>> -> memref<10000x144xf32, #tpu.memory_space<vmem_shared>>
          %dma_wait3A_334 = tpu.memref_slice %arg11[%dma_wait3A_323] : memref<3x!tpu.dma_semaphore, #tpu.memory_space<semaphore_mem>> -> memref<1x!tpu.dma_semaphore, #tpu.memory_space<semaphore_mem>>
          %dma_wait3A_335 = tpu.memref_squeeze %dma_wait3A_334 : memref<1x!tpu.dma_semaphore, #tpu.memory_space<semaphore_mem>> -> memref<!tpu.dma_semaphore, #tpu.memory_space<semaphore_mem>>
          tpu.wait_indirect_dma semaphore(%dma_wait3A_335 : memref<!tpu.dma_semaphore, #tpu.memory_space<semaphore_mem>>) src(%dma_wait3A_327 : memref<48x144xf32, #tpu.memory_space<vmem>>) dst(%dma_wait3A_333 : memref<10000x144xf32, #tpu.memory_space<vmem_shared>>)
        } else {
        }
        %add3A_283 = arith.constant 2 : i32
        %add3A_284 = arith.addi %add3A_277, %add3A_283 : i32
        %lt3A_285 = arith.constant 174 : i32
        %lt3A_286 = arith.cmpi slt, %add3A_284, %lt3A_285 : i32
        %convert_element_type3A_287 = arith.extui %lt3A_286 : i1 to i32
        %cond3A_288 = arith.constant 0 : i32
        %cond3A_289 = arith.cmpi ne, %convert_element_type3A_287, %cond3A_288 : i32
        scf.if %cond3A_289 {
          %add3A_320 = arith.constant 2 : i32
          %add3A_321 = arith.addi %add3A_277, %add3A_320 : i32
          %mul3A_322 = arith.constant 48 : i32
          %mul3A_323 = arith.muli %add3A_321, %mul3A_322 : i32
          %add3A_324 = arith.constant 0 : i32
          %add3A_325 = arith.addi %mul3A_323, %add3A_324 : i32
          %get3A_326 = arith.index_cast %add3A_325 : i32 to index
          %get3A_327 = tpu.vector_load %arg5[%get3A_326] {strides = array<i32>} : memref<11664xi32, #tpu.memory_space<vmem>>, vector<16xi32>,
          %get3A_328 = vector.shape_cast %get3A_327 : vector<16xi32> to vector<16xi32>
          %shift_right_logical3A_329 = arith.constant 14 : i32
          %shift_right_logical3A_330 = vector.broadcast %shift_right_logical3A_329 : i32 to vector<16xi32>
          %shift_right_logical3A_331 = arith.shrui %get3A_328, %shift_right_logical3A_330 : vector<16xi32>
          %swap3A_332 = arith.constant 1 : i32
          %swap3A_333 = arith.index_cast %swap3A_332 : i32 to index
          %swap3A_334 = arith.constant 0 : index
          %swap3A_335 = tpu.vector_load %arg6[%swap3A_333, %swap3A_334] {strides = array<i32>} : memref<3x48xi32, #tpu.memory_space<vmem>>, vector<1x16xi32>,
          %swap3A_336 = vector.shape_cast %swap3A_335 : vector<1x16xi32> to vector<16xi32>
          %swap3A_337 = vector.shape_cast %shift_right_logical3A_331 : vector<16xi32> to vector<1x16xi32>
          tpu.vector_store %arg6[%swap3A_333, %swap3A_334], %swap3A_337 {strides = array<i32>} : memref<3x48xi32, #tpu.memory_space<vmem>>, vector<1x16xi32>,
          %and3A_338 = arith.constant 16383 : i32
          %and3A_339 = vector.broadcast %and3A_338 : i32 to vector<16xi32>
          %and3A_340 = arith.andi %get3A_328, %and3A_339 : vector<16xi32>
          %swap3A_341 = arith.constant 1 : i32
          %swap3A_342 = arith.index_cast %swap3A_341 : i32 to index
          %swap3A_343 = arith.constant 0 : index
          %swap3A_344 = tpu.vector_load %arg7[%swap3A_342, %swap3A_343] {strides = array<i32>} : memref<3x48xi32, #tpu.memory_space<vmem>>, vector<1x16xi32>,
          %swap3A_345 = vector.shape_cast %swap3A_344 : vector<1x16xi32> to vector<16xi32>
          %swap3A_346 = vector.shape_cast %and3A_340 : vector<16xi32> to vector<1x16xi32>
          tpu.vector_store %arg7[%swap3A_342, %swap3A_343], %swap3A_346 {strides = array<i32>} : memref<3x48xi32, #tpu.memory_space<vmem>>, vector<1x16xi32>,
          %mul3A_347 = arith.constant 48 : i32
          %mul3A_348 = arith.muli %add3A_321, %mul3A_347 : i32
          %add3A_349 = arith.constant 16 : i32
          %add3A_350 = arith.addi %mul3A_348, %add3A_349 : i32
          %get3A_351 = arith.index_cast %add3A_350 : i32 to index
          %get3A_352 = tpu.vector_load %arg5[%get3A_351] {strides = array<i32>} : memref<11664xi32, #tpu.memory_space<vmem>>, vector<16xi32>,
          %get3A_353 = vector.shape_cast %get3A_352 : vector<16xi32> to vector<16xi32>
          %shift_right_logical3A_354 = arith.constant 14 : i32
          %shift_right_logical3A_355 = vector.broadcast %shift_right_logical3A_354 : i32 to vector<16xi32>
          %shift_right_logical3A_356 = arith.shrui %get3A_353, %shift_right_logical3A_355 : vector<16xi32>
          %swap3A_357 = arith.constant 1 : i32
          %swap3A_358 = arith.index_cast %swap3A_357 : i32 to index
          %swap3A_359 = arith.constant 16 : index
          %swap3A_360 = tpu.vector_load %arg6[%swap3A_358, %swap3A_359] {strides = array<i32>} : memref<3x48xi32, #tpu.memory_space<vmem>>, vector<1x16xi32>,
          %swap3A_361 = vector.shape_cast %swap3A_360 : vector<1x16xi32> to vector<16xi32>
          %swap3A_362 = vector.shape_cast %shift_right_logical3A_356 : vector<16xi32> to vector<1x16xi32>
          tpu.vector_store %arg6[%swap3A_358, %swap3A_359], %swap3A_362 {strides = array<i32>} : memref<3x48xi32, #tpu.memory_space<vmem>>, vector<1x16xi32>,
          %and3A_363 = arith.constant 16383 : i32
          %and3A_364 = vector.broadcast %and3A_363 : i32 to vector<16xi32>
          %and3A_365 = arith.andi %get3A_353, %and3A_364 : vector<16xi32>
          %swap3A_366 = arith.constant 1 : i32
          %swap3A_367 = arith.index_cast %swap3A_366 : i32 to index
          %swap3A_368 = arith.constant 16 : index
          %swap3A_369 = tpu.vector_load %arg7[%swap3A_367, %swap3A_368] {strides = array<i32>} : memref<3x48xi32, #tpu.memory_space<vmem>>, vector<1x16xi32>,
          %swap3A_370 = vector.shape_cast %swap3A_369 : vector<1x16xi32> to vector<16xi32>
          %swap3A_371 = vector.shape_cast %and3A_365 : vector<16xi32> to vector<1x16xi32>
          tpu.vector_store %arg7[%swap3A_367, %swap3A_368], %swap3A_371 {strides = array<i32>} : memref<3x48xi32, #tpu.memory_space<vmem>>, vector<1x16xi32>,
          %mul3A_372 = arith.constant 48 : i32
          %mul3A_373 = arith.muli %add3A_321, %mul3A_372 : i32
          %add3A_374 = arith.constant 32 : i32
          %add3A_375 = arith.addi %mul3A_373, %add3A_374 : i32
          %get3A_376 = arith.index_cast %add3A_375 : i32 to index
          %get3A_377 = tpu.vector_load %arg5[%get3A_376] {strides = array<i32>} : memref<11664xi32, #tpu.memory_space<vmem>>, vector<16xi32>,
          %get3A_378 = vector.shape_cast %get3A_377 : vector<16xi32> to vector<16xi32>
          %shift_right_logical3A_379 = arith.constant 14 : i32
          %shift_right_logical3A_380 = vector.broadcast %shift_right_logical3A_379 : i32 to vector<16xi32>
          %shift_right_logical3A_381 = arith.shrui %get3A_378, %shift_right_logical3A_380 : vector<16xi32>
          %swap3A_382 = arith.constant 1 : i32
          %swap3A_383 = arith.index_cast %swap3A_382 : i32 to index
          %swap3A_384 = arith.constant 32 : index
          %swap3A_385 = tpu.vector_load %arg6[%swap3A_383, %swap3A_384] {strides = array<i32>} : memref<3x48xi32, #tpu.memory_space<vmem>>, vector<1x16xi32>,
          %swap3A_386 = vector.shape_cast %swap3A_385 : vector<1x16xi32> to vector<16xi32>
          %swap3A_387 = vector.shape_cast %shift_right_logical3A_381 : vector<16xi32> to vector<1x16xi32>
          tpu.vector_store %arg6[%swap3A_383, %swap3A_384], %swap3A_387 {strides = array<i32>} : memref<3x48xi32, #tpu.memory_space<vmem>>, vector<1x16xi32>,
          %and3A_388 = arith.constant 16383 : i32
          %and3A_389 = vector.broadcast %and3A_388 : i32 to vector<16xi32>
          %and3A_390 = arith.andi %get3A_378, %and3A_389 : vector<16xi32>
          %swap3A_391 = arith.constant 1 : i32
          %swap3A_392 = arith.index_cast %swap3A_391 : i32 to index
          %swap3A_393 = arith.constant 32 : index
          %swap3A_394 = tpu.vector_load %arg7[%swap3A_392, %swap3A_393] {strides = array<i32>} : memref<3x48xi32, #tpu.memory_space<vmem>>, vector<1x16xi32>,
          %swap3A_395 = vector.shape_cast %swap3A_394 : vector<1x16xi32> to vector<16xi32>
          %swap3A_396 = vector.shape_cast %and3A_390 : vector<16xi32> to vector<1x16xi32>
          tpu.vector_store %arg7[%swap3A_392, %swap3A_393], %swap3A_396 {strides = array<i32>} : memref<3x48xi32, #tpu.memory_space<vmem>>, vector<1x16xi32>,
          %dma_start3A_397 = arith.constant 1 : i32
          %dma_start3A_398 = arith.constant 1 : i32
          %dma_start3A_399 = arith.constant 1 : i32
          %dma_start3A_400 = arith.constant 0 : i32
          %dma_start3A_401 = arith.constant 0 : i32
          %dma_start3A_402 = tpu.memref_slice %arg8[%dma_start3A_398, %dma_start3A_400, %dma_start3A_401] : memref<3x48x144xf32, #tpu.memory_space<vmem>> -> memref<1x48x144xf32, #tpu.memory_space<vmem>>
          %dma_start3A_403 = tpu.memref_squeeze %dma_start3A_402 : memref<1x48x144xf32, #tpu.memory_space<vmem>> -> memref<48x144xf32, #tpu.memory_space<vmem>>
          %dma_start3A_404 = arith.constant 0 : i32
          %dma_start3A_405 = tpu.memref_slice %arg6[%dma_start3A_397, %dma_start3A_404] : memref<3x48xi32, #tpu.memory_space<vmem>> -> memref<1x48xi32, #tpu.memory_space<vmem>>
          %dma_start3A_406 = tpu.memref_squeeze %dma_start3A_405 : memref<1x48xi32, #tpu.memory_space<vmem>> -> memref<48xi32, #tpu.memory_space<vmem>>
          %dma_start3A_407 = arith.constant 0 : i32
          %dma_start3A_408 = arith.constant 0 : i32
          %dma_start3A_409 = tpu.memref_slice %arg2[%dma_start3A_407, %dma_start3A_408] : memref<10752x144xf32, #tpu.memory_space<hbm>> -> memref<10752x144xf32, #tpu.memory_space<hbm>>
          %dma_start3A_410 = tpu.memref_slice %arg10[%dma_start3A_399] : memref<3x!tpu.dma_semaphore, #tpu.memory_space<semaphore_mem>> -> memref<1x!tpu.dma_semaphore, #tpu.memory_space<semaphore_mem>>
          %dma_start3A_411 = tpu.memref_squeeze %dma_start3A_410 : memref<1x!tpu.dma_semaphore, #tpu.memory_space<semaphore_mem>> -> memref<!tpu.dma_semaphore, #tpu.memory_space<semaphore_mem>>
          tpu.enqueue_indirect_dma source(%dma_start3A_409 : memref<10752x144xf32, #tpu.memory_space<hbm>>) target(%dma_start3A_403 : memref<48x144xf32, #tpu.memory_space<vmem>>) offsets(%dma_start3A_406 : memref<48xi32, #tpu.memory_space<vmem>>) semaphore(%dma_start3A_411 : memref<!tpu.dma_semaphore, #tpu.memory_space<semaphore_mem>>)
        } else {
        }
        %dma_wait3A_290 = arith.constant 2 : i32
        %dma_wait3A_291 = arith.constant 2 : i32
        %dma_wait3A_292 = arith.constant 2 : i32
        %dma_wait3A_293 = arith.constant 0 : i32
        %dma_wait3A_294 = arith.constant 0 : i32
        %dma_wait3A_295 = tpu.memref_slice %arg8[%dma_wait3A_291, %dma_wait3A_293, %dma_wait3A_294] : memref<3x48x144xf32, #tpu.memory_space<vmem>> -> memref<1x48x144xf32, #tpu.memory_space<vmem>>
        %dma_wait3A_296 = tpu.memref_squeeze %dma_wait3A_295 : memref<1x48x144xf32, #tpu.memory_space<vmem>> -> memref<48x144xf32, #tpu.memory_space<vmem>>
        %dma_wait3A_297 = arith.constant 0 : i32
        %dma_wait3A_298 = tpu.memref_slice %arg6[%dma_wait3A_290, %dma_wait3A_297] : memref<3x48xi32, #tpu.memory_space<vmem>> -> memref<1x48xi32, #tpu.memory_space<vmem>>
        %dma_wait3A_299 = tpu.memref_squeeze %dma_wait3A_298 : memref<1x48xi32, #tpu.memory_space<vmem>> -> memref<48xi32, #tpu.memory_space<vmem>>
        %dma_wait3A_300 = arith.constant 0 : i32
        %dma_wait3A_301 = arith.constant 0 : i32
        %dma_wait3A_302 = tpu.memref_slice %arg2[%dma_wait3A_300, %dma_wait3A_301] : memref<10752x144xf32, #tpu.memory_space<hbm>> -> memref<10752x144xf32, #tpu.memory_space<hbm>>
        %dma_wait3A_303 = tpu.memref_slice %arg10[%dma_wait3A_292] : memref<3x!tpu.dma_semaphore, #tpu.memory_space<semaphore_mem>> -> memref<1x!tpu.dma_semaphore, #tpu.memory_space<semaphore_mem>>
        %dma_wait3A_304 = tpu.memref_squeeze %dma_wait3A_303 : memref<1x!tpu.dma_semaphore, #tpu.memory_space<semaphore_mem>> -> memref<!tpu.dma_semaphore, #tpu.memory_space<semaphore_mem>>
        tpu.wait_indirect_dma semaphore(%dma_wait3A_304 : memref<!tpu.dma_semaphore, #tpu.memory_space<semaphore_mem>>) src(%dma_wait3A_302 : memref<10752x144xf32, #tpu.memory_space<hbm>>) dst(%dma_wait3A_296 : memref<48x144xf32, #tpu.memory_space<vmem>>)
        %dma_start3A_305 = arith.constant 2 : i32
        %dma_start3A_306 = arith.constant 2 : i32
        %dma_start3A_307 = arith.constant 2 : i32
        %dma_start3A_308 = arith.constant 0 : i32
        %dma_start3A_309 = arith.constant 0 : i32
        %dma_start3A_310 = tpu.memref_slice %arg8[%dma_start3A_305, %dma_start3A_308, %dma_start3A_309] : memref<3x48x144xf32, #tpu.memory_space<vmem>> -> memref<1x48x144xf32, #tpu.memory_space<vmem>>
        %dma_start3A_311 = tpu.memref_squeeze %dma_start3A_310 : memref<1x48x144xf32, #tpu.memory_space<vmem>> -> memref<48x144xf32, #tpu.memory_space<vmem>>
        %dma_start3A_312 = arith.constant 0 : i32
        %dma_start3A_313 = tpu.memref_slice %arg7[%dma_start3A_306, %dma_start3A_312] : memref<3x48xi32, #tpu.memory_space<vmem>> -> memref<1x48xi32, #tpu.memory_space<vmem>>
        %dma_start3A_314 = tpu.memref_squeeze %dma_start3A_313 : memref<1x48xi32, #tpu.memory_space<vmem>> -> memref<48xi32, #tpu.memory_space<vmem>>
        %dma_start3A_315 = arith.constant 0 : i32
        %dma_start3A_316 = arith.constant 0 : i32
        %dma_start3A_317 = tpu.memref_slice %arg9[%dma_start3A_315, %dma_start3A_316] : memref<10000x144xf32, #tpu.memory_space<vmem_shared>> -> memref<10000x144xf32, #tpu.memory_space<vmem_shared>>
        %dma_start3A_318 = tpu.memref_slice %arg11[%dma_start3A_307] : memref<3x!tpu.dma_semaphore, #tpu.memory_space<semaphore_mem>> -> memref<1x!tpu.dma_semaphore, #tpu.memory_space<semaphore_mem>>
        %dma_start3A_319 = tpu.memref_squeeze %dma_start3A_318 : memref<1x!tpu.dma_semaphore, #tpu.memory_space<semaphore_mem>> -> memref<!tpu.dma_semaphore, #tpu.memory_space<semaphore_mem>>
        tpu.enqueue_indirect_dma source(%dma_start3A_311 : memref<48x144xf32, #tpu.memory_space<vmem>>) target(%dma_start3A_317 : memref<10000x144xf32, #tpu.memory_space<vmem_shared>>) offsets(%dma_start3A_314 : memref<48xi32, #tpu.memory_space<vmem>>) semaphore(%dma_start3A_319 : memref<!tpu.dma_semaphore, #tpu.memory_space<semaphore_mem>>) {add = true}
      }
      %scan3A_168 = arith.constant 58 : i32
      %dma_wait3A = arith.constant 2 : i32
      %dma_wait3A_169 = arith.constant 2 : i32
      %dma_wait3A_170 = arith.constant 2 : i32
      %dma_wait3A_171 = arith.constant 0 : i32
      %dma_wait3A_172 = arith.constant 0 : i32
      %dma_wait3A_173 = tpu.memref_slice %arg8[%dma_wait3A, %dma_wait3A_171, %dma_wait3A_172] : memref<3x48x144xf32, #tpu.memory_space<vmem>> -> memref<1x48x144xf32, #tpu.memory_space<vmem>>
      %dma_wait3A_174 = tpu.memref_squeeze %dma_wait3A_173 : memref<1x48x144xf32, #tpu.memory_space<vmem>> -> memref<48x144xf32, #tpu.memory_space<vmem>>
      %dma_wait3A_175 = arith.constant 0 : i32
      %dma_wait3A_176 = tpu.memref_slice %arg7[%dma_wait3A_169, %dma_wait3A_175] : memref<3x48xi32, #tpu.memory_space<vmem>> -> memref<1x48xi32, #tpu.memory_space<vmem>>
      %dma_wait3A_177 = tpu.memref_squeeze %dma_wait3A_176 : memref<1x48xi32, #tpu.memory_space<vmem>> -> memref<48xi32, #tpu.memory_space<vmem>>
      %dma_wait3A_178 = arith.constant 0 : i32
      %dma_wait3A_179 = arith.constant 0 : i32
      %dma_wait3A_180 = tpu.memref_slice %arg9[%dma_wait3A_178, %dma_wait3A_179] : memref<10000x144xf32, #tpu.memory_space<vmem_shared>> -> memref<10000x144xf32, #tpu.memory_space<vmem_shared>>
      %dma_wait3A_181 = tpu.memref_slice %arg11[%dma_wait3A_170] : memref<3x!tpu.dma_semaphore, #tpu.memory_space<semaphore_mem>> -> memref<1x!tpu.dma_semaphore, #tpu.memory_space<semaphore_mem>>
      %dma_wait3A_182 = tpu.memref_squeeze %dma_wait3A_181 : memref<1x!tpu.dma_semaphore, #tpu.memory_space<semaphore_mem>> -> memref<!tpu.dma_semaphore, #tpu.memory_space<semaphore_mem>>
      tpu.wait_indirect_dma semaphore(%dma_wait3A_182 : memref<!tpu.dma_semaphore, #tpu.memory_space<semaphore_mem>>) src(%dma_wait3A_174 : memref<48x144xf32, #tpu.memory_space<vmem>>) dst(%dma_wait3A_180 : memref<10000x144xf32, #tpu.memory_space<vmem_shared>>)
    } else {
    }
    %barrier3A_8 = arith.constant 0 : index
    tpu.barrier barrier_id(%barrier3A_8)
    "tpu.region"() ({
      %run_scoped3A = tpu.sem_alloc : memref<!tpu.dma_semaphore, #tpu.memory_space<semaphore_mem>>
      %dma_start3A = arith.constant 0 : i32
      %dma_start3A_9 = tpu.memref_slice %arg4[%arg0, %mul3A_0, %dma_start3A] : memref<2x10000x144xf32, #tpu.memory_space<hbm>> -> memref<1x625x144xf32, #tpu.memory_space<hbm>>
      %dma_start3A_10 = tpu.memref_squeeze %dma_start3A_9 : memref<1x625x144xf32, #tpu.memory_space<hbm>> -> memref<625x144xf32, #tpu.memory_space<hbm>>
      %dma_start3A_11 = arith.constant 0 : i32
      %dma_start3A_12 = tpu.memref_slice %arg9[%mul3A_0, %dma_start3A_11] : memref<10000x144xf32, #tpu.memory_space<vmem_shared>> -> memref<625x144xf32, #tpu.memory_space<vmem_shared>>
      tpu.enqueue_dma source(%dma_start3A_12 : memref<625x144xf32, #tpu.memory_space<vmem_shared>>) target(%dma_start3A_10 : memref<625x144xf32, #tpu.memory_space<hbm>>) target_semaphore(%run_scoped3A : memref<!tpu.dma_semaphore, #tpu.memory_space<semaphore_mem>>)
      %dma_wait3A = arith.constant 0 : i32
      %dma_wait3A_13 = tpu.memref_slice %arg4[%arg0, %mul3A_0, %dma_wait3A] : memref<2x10000x144xf32, #tpu.memory_space<hbm>> -> memref<1x625x144xf32, #tpu.memory_space<hbm>>
      %dma_wait3A_14 = tpu.memref_squeeze %dma_wait3A_13 : memref<1x625x144xf32, #tpu.memory_space<hbm>> -> memref<625x144xf32, #tpu.memory_space<hbm>>
      %dma_wait3A_15 = arith.constant 0 : i32
      %dma_wait3A_16 = tpu.memref_slice %arg9[%mul3A_0, %dma_wait3A_15] : memref<10000x144xf32, #tpu.memory_space<vmem_shared>> -> memref<625x144xf32, #tpu.memory_space<vmem_shared>>
      tpu.wait_dma2 semaphore(%run_scoped3A : memref<!tpu.dma_semaphore, #tpu.memory_space<semaphore_mem>>) src(%dma_wait3A_16 : memref<625x144xf32, #tpu.memory_space<vmem_shared>>) dst(%dma_wait3A_14 : memref<625x144xf32, #tpu.memory_space<hbm>>)
      tpu.yield
    }) : () -> ()
    return
  }
}

module attributes {stable_mosaic.version = 14 : i64} {
  func.func @_lin_l_body(%arg0: i32, %arg1: memref<512x128xf32, #tpu.memory_space<vmem>>, %arg2: memref<144x128xf32, #tpu.memory_space<vmem>>, %arg3: memref<512x144xf32, #tpu.memory_space<vmem>>) attributes {dimension_semantics = [#tpu.dimension_semantics<arbitrary>], iteration_bounds = array<i64: 21>, scalar_prefetch = 0 : i64, scratch_operands = 0 : i64, tpu.core_type = #tpu.core_type<tc>, window_params = [{transform_indices = @transform_0, window_bounds = array<i64: 512, 128>}, {pipeline_mode = #tpu.pipeline_mode<synchronous>, transform_indices = @transform_1, window_bounds = array<i64: 144, 128>}, {transform_indices = @transform_2, window_bounds = array<i64: 512, 144>}]} {
    %get3A = arith.constant 0 : index
    %get3A_0 = arith.constant 0 : index
    %get3A_1 = vector.load %arg1[%get3A, %get3A_0] : memref<512x128xf32, #tpu.memory_space<vmem>>, vector<512x128xf32>
    %get3A_2 = arith.constant 0 : index
    %get3A_3 = arith.constant 0 : index
    %get3A_4 = vector.load %arg2[%get3A_2, %get3A_3] : memref<144x128xf32, #tpu.memory_space<vmem>>, vector<144x128xf32>
    %dot_general3A = arith.constant dense<0.000000e+00> : vector<512x144xf32>
    %dot_general3A_5 = tpu.matmul %get3A_1, %get3A_4, %dot_general3A {dimension_numbers = #tpu.dot_dimension_numbers<[1], [1], [0], [0], [0, 0, 1, 0], [], []>, transpose_lhs_hint = false} : vector<512x128xf32>, vector<144x128xf32>, vector<512x144xf32> -> vector<512x144xf32>
    %iota3A = tpu.iota {dimensions = array<i32: 1>} : vector<512x144xi32>
    %mul3A = arith.constant 512 : i32
    %mul3A_6 = arith.muli %arg0, %mul3A : i32
    %iota3A_7 = tpu.iota {dimensions = array<i32: 0>} : vector<512x144xi32>
    %add3A = vector.broadcast %mul3A_6 : i32 to vector<512x144xi32>
    %add3A_8 = arith.addi %add3A, %iota3A_7 : vector<512x144xi32>
    %ge3A = arith.constant 128 : i32
    %ge3A_9 = vector.broadcast %ge3A : i32 to vector<512x144xi32>
    %ge3A_10 = arith.cmpi sge, %iota3A, %ge3A_9 : vector<512x144xi32>
    %lt3A = arith.constant 10000 : i32
    %lt3A_11 = vector.broadcast %lt3A : i32 to vector<512x144xi32>
    %lt3A_12 = arith.cmpi slt, %add3A_8, %lt3A_11 : vector<512x144xi32>
    %and3A = arith.andi %ge3A_10, %lt3A_12 : vector<512x144xi1>
    %convert_element_type3A = arith.extui %and3A : vector<512x144xi1> to vector<512x144xi32>
    %convert_element_type3A_13 = arith.sitofp %convert_element_type3A : vector<512x144xi32> to vector<512x144xf32>
    %add3A_14 = arith.addf %dot_general3A_5, %convert_element_type3A_13 : vector<512x144xf32>
    %swap3A = arith.constant 0 : index
    %swap3A_15 = arith.constant 0 : index
    %swap3A_16 = vector.load %arg3[%swap3A, %swap3A_15] : memref<512x144xf32, #tpu.memory_space<vmem>>, vector<512x144xf32>
    tpu.vector_store %arg3[%swap3A, %swap3A_15], %add3A_14 {strides = array<i32>} : memref<512x144xf32, #tpu.memory_space<vmem>>, vector<512x144xf32>,
    return
  }
  func.func @transform_0(%arg0: i32) -> (i32, i32) {
    %c0_i32 = arith.constant 0 : i32
    %c0_i32_0 = arith.constant 0 : i32
    return %arg0, %c0_i32 : i32, i32
  }
  func.func @transform_1(%arg0: i32) -> (i32, i32) {
    %c0_i32 = arith.constant 0 : i32
    %c0_i32_0 = arith.constant 0 : i32
    %c0_i32_1 = arith.constant 0 : i32
    return %c0_i32, %c0_i32_0 : i32, i32
  }
  func.func @transform_2(%arg0: i32) -> (i32, i32) {
    %c0_i32 = arith.constant 0 : i32
    %c0_i32_0 = arith.constant 0 : i32
    return %arg0, %c0_i32 : i32, i32
  }
}

module attributes {stable_mosaic.version = 14 : i64} {
  func.func @_combine_body(%arg0: i32, %arg1: memref<1000x128xf32, #tpu.memory_space<vmem>>, %arg2: memref<2x1000x144xf32, #tpu.memory_space<vmem>>, %arg3: memref<128x128xf32, #tpu.memory_space<vmem>>, %arg4: memref<1x128xf32, #tpu.memory_space<vmem>>, %arg5: memref<1000x128xf32, #tpu.memory_space<vmem>>) attributes {dimension_semantics = [#tpu.dimension_semantics<arbitrary>], iteration_bounds = array<i64: 10>, scalar_prefetch = 0 : i64, scratch_operands = 0 : i64, tpu.core_type = #tpu.core_type<tc>, window_params = [{transform_indices = @transform_0, window_bounds = array<i64: 1000, 128>}, {transform_indices = @transform_1, window_bounds = array<i64: 2, 1000, 144>}, {pipeline_mode = #tpu.pipeline_mode<synchronous>, transform_indices = @transform_2, window_bounds = array<i64: 128, 128>}, {pipeline_mode = #tpu.pipeline_mode<synchronous>, transform_indices = @transform_3, window_bounds = array<i64: 1, 128>}, {transform_indices = @transform_4, window_bounds = array<i64: 1000, 128>}]} {
    %get3A = arith.constant 0 : index
    %get3A_0 = arith.constant 0 : index
    %get3A_1 = arith.constant 0 : index
    %get3A_2 = vector.load %arg2[%get3A, %get3A_0, %get3A_1] : memref<2x1000x144xf32, #tpu.memory_space<vmem>>, vector<1x1000x128xf32>
    %get3A_3 = vector.shape_cast %get3A_2 : vector<1x1000x128xf32> to vector<1000x128xf32>
    %get3A_4 = arith.constant 1 : index
    %get3A_5 = arith.constant 0 : index
    %get3A_6 = arith.constant 0 : index
    %get3A_7 = vector.load %arg2[%get3A_4, %get3A_5, %get3A_6] : memref<2x1000x144xf32, #tpu.memory_space<vmem>>, vector<1x1000x128xf32>
    %get3A_8 = vector.shape_cast %get3A_7 : vector<1x1000x128xf32> to vector<1000x128xf32>
    %add3A = arith.addf %get3A_3, %get3A_8 : vector<1000x128xf32>
    %get3A_9 = arith.constant 0 : index
    %get3A_10 = arith.constant 0 : index
    %get3A_11 = arith.constant 128 : index
    %get3A_12 = vector.load %arg2[%get3A_9, %get3A_10, %get3A_11] : memref<2x1000x144xf32, #tpu.memory_space<vmem>>, vector<1x1000x1xf32>
    %get3A_13 = vector.shape_cast %get3A_12 : vector<1x1000x1xf32> to vector<1000x1xf32>
    %get3A_14 = arith.constant 1 : index
    %get3A_15 = arith.constant 0 : index
    %get3A_16 = arith.constant 128 : index
    %get3A_17 = vector.load %arg2[%get3A_14, %get3A_15, %get3A_16] : memref<2x1000x144xf32, #tpu.memory_space<vmem>>, vector<1x1000x1xf32>
    %get3A_18 = vector.shape_cast %get3A_17 : vector<1x1000x1xf32> to vector<1000x1xf32>
    %add3A_19 = arith.addf %get3A_13, %get3A_18 : vector<1000x1xf32>
    %max3A = arith.constant 1.000000e+00 : f32
    %max3A_20 = vector.broadcast %max3A : f32 to vector<1000x1xf32>
    %max3A_21 = arith.maximumf %add3A_19, %max3A_20 : vector<1000x1xf32>
    %div3A = vector.broadcast %max3A_21 : vector<1000x1xf32> to vector<1000x128xf32>
    %div3A_22 = arith.divf %add3A, %div3A : vector<1000x128xf32>
    %get3A_23 = arith.constant 0 : index
    %get3A_24 = arith.constant 0 : index
    %get3A_25 = vector.load %arg4[%get3A_23, %get3A_24] : memref<1x128xf32, #tpu.memory_space<vmem>>, vector<1x128xf32>
    %add3A_26 = vector.broadcast %get3A_25 : vector<1x128xf32> to vector<1000x128xf32>
    %add3A_27 = arith.addf %div3A_22, %add3A_26 : vector<1000x128xf32>
    %get3A_28 = arith.constant 0 : index
    %get3A_29 = arith.constant 0 : index
    %get3A_30 = vector.load %arg1[%get3A_28, %get3A_29] : memref<1000x128xf32, #tpu.memory_space<vmem>>, vector<1000x128xf32>
    %get3A_31 = arith.constant 0 : index
    %get3A_32 = arith.constant 0 : index
    %get3A_33 = vector.load %arg3[%get3A_31, %get3A_32] : memref<128x128xf32, #tpu.memory_space<vmem>>, vector<128x128xf32>
    %dot_general3A = arith.constant dense<0.000000e+00> : vector<1000x128xf32>
    %dot_general3A_34 = tpu.matmul %get3A_30, %get3A_33, %dot_general3A {dimension_numbers = #tpu.dot_dimension_numbers<[1], [1], [0], [0], [0, 0, 1, 0], [], []>, transpose_lhs_hint = false} : vector<1000x128xf32>, vector<128x128xf32>, vector<1000x128xf32> -> vector<1000x128xf32>
    %add3A_35 = arith.addf %add3A_27, %dot_general3A_34 : vector<1000x128xf32>
    %mul3A = arith.mulf %add3A_35, %add3A_35 : vector<1000x128xf32>
    %reduce_sum3A = arith.constant dense<0.000000e+00> : vector<1000xf32>
    %reduce_sum3A_36 = vector.multi_reduction <add>, %mul3A, %reduce_sum3A [1] : vector<1000x128xf32> to vector<1000xf32>
    %broadcast_in_dim3A = vector.shape_cast %reduce_sum3A_36 : vector<1000xf32> to vector<1000x1xf32>
    %sqrt3A = math.sqrt %broadcast_in_dim3A : vector<1000x1xf32>
    %max3A_37 = arith.constant 9.99999996E-13 : f32
    %max3A_38 = vector.broadcast %max3A_37 : f32 to vector<1000x1xf32>
    %max3A_39 = arith.maximumf %sqrt3A, %max3A_38 : vector<1000x1xf32>
    %div3A_40 = vector.broadcast %max3A_39 : vector<1000x1xf32> to vector<1000x128xf32>
    %div3A_41 = arith.divf %add3A_35, %div3A_40 : vector<1000x128xf32>
    %max3A_42 = arith.constant 0.000000e+00 : f32
    %max3A_43 = vector.broadcast %max3A_42 : f32 to vector<1000x128xf32>
    %max3A_44 = arith.maximumf %div3A_41, %max3A_43 : vector<1000x128xf32>
    %swap3A = arith.constant 0 : index
    %swap3A_45 = arith.constant 0 : index
    %swap3A_46 = vector.load %arg5[%swap3A, %swap3A_45] : memref<1000x128xf32, #tpu.memory_space<vmem>>, vector<1000x128xf32>
    tpu.vector_store %arg5[%swap3A, %swap3A_45], %max3A_44 {strides = array<i32>} : memref<1000x128xf32, #tpu.memory_space<vmem>>, vector<1000x128xf32>,
    return
  }
  func.func @transform_0(%arg0: i32) -> (i32, i32) {
    %c0_i32 = arith.constant 0 : i32
    %c0_i32_0 = arith.constant 0 : i32
    return %arg0, %c0_i32 : i32, i32
  }
  func.func @transform_1(%arg0: i32) -> (i32, i32, i32) {
    %c0_i32 = arith.constant 0 : i32
    %c0_i32_0 = arith.constant 0 : i32
    %c0_i32_1 = arith.constant 0 : i32
    return %c0_i32, %arg0, %c0_i32_0 : i32, i32, i32
  }
  func.func @transform_2(%arg0: i32) -> (i32, i32) {
    %c0_i32 = arith.constant 0 : i32
    %c0_i32_0 = arith.constant 0 : i32
    %c0_i32_1 = arith.constant 0 : i32
    return %c0_i32, %c0_i32_0 : i32, i32
  }
  func.func @transform_3(%arg0: i32) -> (i32, i32) {
    %c0_i32 = arith.constant 0 : i32
    %c0_i32_0 = arith.constant 0 : i32
    %c0_i32_1 = arith.constant 0 : i32
    return %c0_i32, %c0_i32_0 : i32, i32
  }
  func.func @transform_4(%arg0: i32) -> (i32, i32) {
    %c0_i32 = arith.constant 0 : i32
    %c0_i32_0 = arith.constant 0 : i32
    return %arg0, %c0_i32 : i32, i32
  }
}

</mosaic_0001>

<sc_bundles>
// kernel: kernel.5.cloned.1.call-start
scs
__scs_entry_jumppad:
0x0: {  	(pc) =	sbr.rel $0x88, $3  }
0x1: {  	(tag) =	ssettag $0x0;
	lr =	simm.s32 $0x1  }
0x2: {  	[smem:$0x3F9C] =	sst lr;
	_ =	strace $0xD0000000  }
0x3: {  	_ = 	snop  }
0x4: {  	_ = 	snop  }
0x5: {  	_ = 	snop  }
0x6: {  	_ = 	snop  }
0x7: {  	_ = 	snop  }
__scs_overlays_trampoline_lowered:
0x8: {  	[smem:$0x3FAB] =	sst s0  }
0x9: {  	[smem:$0x3FAC] =	sst s1  }
0xa: {  	[smem:$0x3FAD] =	sst s2  }
0xb: {  	[smem:$0x3FAE] =	sst s3  }
0xc: {  	[smem:$0x3FAF] =	sst s4  }
0xd: {  	[smem:$0x3FB0] =	sst s5  }
0xe: {  	[smem:$0x3FB1] =	sst s6  }
0xf: {  	[smem:$0x3FB2] =	sst s7  }
0x10: {  	[smem:$0x3FB3] =	sst s8  }
0x11: {  	[smem:$0x3FB4] =	sst s9;
	s0 =	simm.s32 @!p0 $0x0  }
0x12: {  	s1 =	sld [smem:$0x3F9A];
	s0 =	simm.s32 @p0 $0x1  }
0x13: {  	[smem:$0x3FB5] =	sst s0;
	s0 =	simm.s32 @!p1 $0x0  }
0x14: {  	s2 =	sld [smem:$0x3F99];
	s0 =	simm.s32 @p1 $0x1  }
0x15: {  	[smem:$0x3FB6] =	sst s0;
	s0 =	simm.s32 @!p2 $0x0  }
0x16: {  	s3 =	sld [smem:$0x3FDB];
	s0 =	simm.s32 @p2 $0x1  }
0x17: {  	s4 =	simm.s32 $0x1BF5;
	[smem:$0x3FB8] =	sst s0  }
0x18: {  	s0 =	sld [smem:$0x3F9B];
	_ =	swait.ge [sflag:s4], $0x0  }
0x19: {  	s7 =	sld [smem:$0x3F9C]  }
0x1a: {  	s8 =	sadd.s32 $0xFFFFE003, lr  }
0x1b: {  	s9 =	sadd.s32 $0xFFFFFEF7, lr;
	s5 =	simm.s32 $0xFFFFFFFF;
	p2 =	slt.u32 s8, $0xFFFFF086  }
0x1c: {  	p1 =	slt.u32 s9, $0xF7A;
	s5 =	simm.s32 @!p2 $0x0  }
0x1d: {  	s5 =	simm.s32 @p1 $0x1;
	p0 =	seq.s32 s7, s2  }
0x1e: {  	s7 =	smul.u32 @!p0 $0xF7A, s2;
	p2 =	seq.s32 @!p0 s5, $0x0  }
0x1f: {  	s9 =	smul.u32 $0xF7A, s1;
	s8 =	simm.s32 @!p0 $0x1BF5;
	p2 =	por !p2, p0  }
0x20: {  	[sflag:s8] =	ssyncset.s32 @!p0 $0xFFFFF086;
	s6 =	sadd.s32 @!p0 s3, s7;
	s7 =	simm.s32 @!p0 $0x108  }
0x21: {  	s3 =	sadd.s32 s3, s9;
	s6 =	sadd.s32 @!p0 $0x88, s6;
	s7 =	simm.s32 @p2 $0x1082  }
0x22: {  	[simem:s7], [sflag:s8] =	dma.local @!p0 [hbm:s6], $0xF7A  }
0x23: {  	s9 =	sor.u32 $0xD0000000, s2;
	s6 =	simm.s32 $0x108;
	_ =	swait.ge @!p0 [sflag:s8], $0x0  }
0x24: {  	s3 =	sadd.s32 $0x88, s3;
	s6 =	simm.s32 @!p1 $0x1082;
	[sflag:s4] =	ssyncset.s32 $0xFFFFF086  }
0x25: {  	[simem:s6], [sflag:s4] =	dma.local [hbm:s3], $0xF7A  }
0x26: {  	[smem:$0x3F9C] =	sst s1;
	(tag) =	ssettag s2;
	_ =	strace s9  }
0x27: {  	s1 =	sld [smem:$0x3FAC]  }
0x28: {  	s2 =	sld [smem:$0x3FAD]  }
0x29: {  	s4 =	sld [smem:$0x3FAF]  }
0x2a: {  	p0 =	seq.s32 s5, $0x0;
	s5 =	sld [smem:$0x3FB0]  }
0x2b: {  	s6 =	sld [smem:$0x3FB1]  }
0x2c: {  	s7 =	sld [smem:$0x3FB2]  }
0x2d: {  	s3 =	simm.s32 $0x108;
	s8 =	sld [smem:$0x3FB3]  }
0x2e: {  	s3 =	simm.s32 @!p0 $0x1082;
	s9 =	sld [smem:$0x3FB4]  }
0x2f: {  	lr =	sadd.s32 s0, s3;
	s0 =	sld [smem:$0x3FAB]  }
0x30: {  	s3 =	sld [smem:$0x3FAE]  }
0x31: {  	[smem:$0x3FB7] =	sst s10  }
0x32: {  	s10 =	sld [smem:$0x3FB5];
	_ =	sdelay $0x3  }
0x33: {  	p0 =	seq.s32 s10, $0x1;
	s10 =	sld [smem:$0x3FB7];
	_ =	sdelay $0x3  }
0x34: {  	[smem:$0x3FB7] =	sst s10  }
0x35: {  	s10 =	sld [smem:$0x3FB6];
	_ =	sdelay $0x3  }
0x36: {  	p1 =	seq.s32 s10, $0x1;
	s10 =	sld [smem:$0x3FB7];
	_ =	sdelay $0x3  }
0x37: {  	[smem:$0x3FB7] =	sst s10  }
0x38: {  	s10 =	sld [smem:$0x3FB8]  }
0x39: {  	_ = 	snop;
	(pc) =	sbr.ind lr, $3  }
0x3a: {  	_ = 	snop  }
0x3b: {  	_ = 	snop  }
0x3c: {  	p2 =	seq.s32 s10, $0x1;
	s10 =	sld [smem:$0x3FB7]  }
0x3d: {  	_ =	shalt  }
0x3e: {  	_ =	shalt  }
0x3f: {  	_ =	shalt  }
0x40: {  	_ =	shalt  }
0x41: {  	_ =	shalt  }
0x42: {  	_ =	shalt  }
0x43: {  	_ =	shalt  }
0x44: {  	_ =	shalt  }
0x45: {  	_ =	shalt  }
0x46: {  	_ =	shalt  }
0x47: {  	_ =	shalt  }
0x48: {  	_ =	shalt  }
0x49: {  	_ =	shalt  }
0x4a: {  	_ =	shalt  }
0x4b: {  	_ =	shalt  }
0x4c: {  	_ =	shalt  }
0x4d: {  	_ =	shalt  }
0x4e: {  	_ =	shalt  }
0x4f: {  	_ =	shalt  }
0x50: {  	_ =	shalt  }
0x51: {  	_ =	shalt  }
0x52: {  	_ =	shalt  }
0x53: {  	_ =	shalt  }
0x54: {  	_ =	shalt  }
0x55: {  	_ =	shalt  }
0x56: {  	_ =	shalt  }
0x57: {  	_ =	shalt  }
0x58: {  	_ =	shalt  }
0x59: {  	_ =	shalt  }
0x5a: {  	_ =	shalt  }
0x5b: {  	_ =	shalt  }
0x5c: {  	_ =	shalt  }
0x5d: {  	_ =	shalt  }
0x5e: {  	_ =	shalt  }
0x5f: {  	_ =	shalt  }
0x60: {  	_ =	shalt  }
0x61: {  	_ =	shalt  }
0x62: {  	_ =	shalt  }
0x63: {  	_ =	shalt  }
0x64: {  	_ =	shalt  }
0x65: {  	_ =	shalt  }
0x66: {  	_ =	shalt  }
0x67: {  	_ =	shalt  }
0x68: {  	_ =	shalt  }
0x69: {  	_ =	shalt  }
0x6a: {  	_ =	shalt  }
0x6b: {  	_ =	shalt  }
0x6c: {  	_ =	shalt  }
0x6d: {  	_ =	shalt  }
0x6e: {  	_ =	shalt  }
0x6f: {  	_ =	shalt  }
0x70: {  	_ =	shalt  }
0x71: {  	_ =	shalt  }
0x72: {  	_ =	shalt  }
0x73: {  	_ =	shalt  }
0x74: {  	_ =	shalt  }
0x75: {  	_ =	shalt  }
0x76: {  	_ =	shalt  }
0x77: {  	_ =	shalt  }
0x78: {  	_ =	shalt  }
0x79: {  	_ =	shalt  }
0x7a: {  	_ =	shalt  }
0x7b: {  	_ =	shalt  }
0x7c: {  	_ =	shalt  }
0x7d: {  	_ =	shalt  }
0x7e: {  	_ =	shalt  }
0x7f: {  	_ =	shalt  }
0x80: {  	_ =	shalt  }
0x81: {  	_ =	shalt  }
0x82: {  	_ =	shalt  }
0x83: {  	_ =	shalt  }
0x84: {  	_ =	shalt  }
0x85: {  	_ =	shalt  }
0x86: {  	_ =	shalt  }
0x87: {  	_ =	shalt  }
.Lfunc_end0:
.L_simem_size_0:
called_computation_lowered:
.L_overlay_start_0:
0x88: {  	s2 =	sld [smem:$0x3FD9]  }
0x89: {  	s3 =	sld [smem:$0x3FFE];
	_ =	sdelay $0x1  }
0x8a: {  	s1 =	srdreg.scid  }
0x8b: {  	s0 =	sand.u32 $0x1, s1  }
0x8c: {  	s17 =	sshll.u32 s0, $0xA;
	s2 =	sadd.s32 s3, s2  }
0x8d: {  	s2 =	sadd.s32 s2, s17  }
0x8e: {  	[smem:$0x3FC3] =	sst s2  }
0x8f: {  	_ = 	snop  }
0x90: {  	s2 =	sld [smem:$0x3FD0];
	(tm) =	ssettm $0x1  }
0x91: {  	s18 =	sld [smem:$0x3FFB];
	_ =	sdelay $0x3  }
0x92: {  	_ =	strace s18  }
0x93: {  	s3 =	sld [smem:$0x3FFC];
	_ =	sdelay $0x3  }
0x94: {  	_ =	strace s3  }
0x95: {  	s3 =	sld [smem:$0x3FFD];
	_ =	sdelay $0x3  }
0x96: {  	_ =	strace s3  }
0x97: {  	_ =	strace $0x8FFFFFFF  }
0x98: {  	s19 =	sld [smem:$0x3FDB];
	_ =	sdelay $0x1  }
0x99: {  	s4 =	simm.s32 $_scs_section_size  }
0x9a: {  	s5 =	simm.s32 $_size__tile_overlayer_lowered;
	s6 =	simm.s32 $_tile_overlayer_lowered  }
0x9b: {  	s22 =	simm.s32 $0x1BFF;
	s21 =	sshll.u32 s6, $0x1;
	s3 =	sadd.s32 s4, s19  }
0x9c: {  	s7 =	simm.s32 $0x0;
	s20 =	sshll.u32 s5, $0x1;
	s5 =	sadd.s32 s21, s3  }
0x9d: {  	[timem:s7], [sflag:s22] =	dma.local [hbm:s5], s20  }
0x9e: {  	_ =	swait.ge [sflag:s22], s20  }
0x9f: {  	s4 =	ssub.s32 $0x0, s20;
	[sflag:s22] =	ssyncset.done $0x0  }
0xa0: {  	[sflag:s22] =	ssyncadd.s32 s4;
	_ =	sdelay $0x1  }
0xa1: {  	s23 =	simm.s32 $0x1B8B  }
0xa2: {  	_ =	swait.ge [sflag:s23], $0x1  }
0xa3: {  	[sflag:s23] =	ssyncset.done $0x0  }
0xa4: {  	s25 =	simm.s32 $0x1B8E;
	s24 =	sld [smem:$0x3FFE];
	[sflag:s23] =	ssyncadd.s32 $0xFFFFFFFF  }
0xa5: {  	s26 =	simm.s32 $execute0_lowered;
	[smem:$0x3FD2] =	sst s25  }
0xa6: {  	s5 =	sshll.u32 s26, $0x1;
	_ =	strace $0x80000046;
	[dreg:$0x1] =	wrdreg $0xFFFFFFFF  }
0xa7: {  	s28 =	simm.s32 $_size_execute0_lowered;
	s3 =	sadd.s32 s3, s5;
	[dreg:$0x0] =	wrdreg $0x0  }
0xa8: {  	s5 =	sshll.u32 s28, $0x1;
	[dreg:$0x2] =	wrdreg s3  }
0xa9: {  	[dreg:$0x3] =	wrdreg s5  }
0xaa: {  	[dreg:$0x4] =	wrdreg $0xC0  }
0xab: {  	_ =	task [dreg:s7], $0x5FFFF  }
0xac: {  	[dreg:$0x1] =	wrdreg $0xFFFFFFFF  }
0xad: {  	[dreg:$0x0] =	wrdreg $0x60  }
0xae: {  	[dreg:$0x2] =	wrdreg s24  }
0xaf: {  	[dreg:$0x3] =	wrdreg s2  }
0xb0: {  	[dreg:$0x4] =	wrdreg $0x7FB00  }
0xb1: {  	[dreg:$0x5] =	wrdreg $0x9  }
0xb2: {  	_ =	task.clear_ibuf [dreg:s7], $0x6FFFF;
	_ =	strace $0x90000046  }
0xb3: {  	s29 =	simm.s32 $0x9;
	_ =	strace $0x80000048  }
0xb4: {  	_ =	swait.ge [sflag:s29], $0x1  }
0xb5: {  	[sflag:s29] =	ssyncadd.s32 $0xFFFFFFFF  }
0xb6: {  	_ =	strace $0x90000048  }
0xb7: {  	_ =	sfence  }
0xb8: {  	s30 =	sld [smem:$0x0];
	_ =	sdelay $0x2  }
0xb9: {  	s31 =	sshll.u32 s1, $0xD;
	s1 =	sshrl.u32 s1, $0x2  }
0xba: {  	s3 =	sand.u32 $0x4000, s31;
	s1 =	sadd.s32 s1, s30  }
0xbb: {  	s0 =	sor.u32 s3, s0;
	s1 =	sshll.u32 s1, $0x11  }
0xbc: {  	s0 =	sor.u32 s1, s0  }
0xbd: {  	s0 =	sadd.s32 $0x8F2B, s0  }
0xbe: {  	[sflag:s0] =	ssyncadd.remote.s32 $0x1  }
0xbf: {  	_ =	sfence.sel $0xFFFF  }
0xc0: {  	[dreg:$0x0] =	wrdreg $0xFFFFFFFF;
	(pc) =	sbr.abs _section_cstart, $3  }
0xc1: {  	[dreg:$0x1] =	wrdreg $0xFFFFFFFF  }
0xc2: {  	_ =	task.clear_ibuf [dreg:s7], $0x2FFFF;
	_ =	strace $0x9FFFFFFF  }
0xc3: {  	(tm) =	ssettm $0x7FFFFFFF  }
tec
execute0_lowered:
.L_overlay_start_1:
0x0: {  	(tag) =	ssettag $0x1  }
0x1: {  	s5 =	rddreg [dreg:$0x0]  }
0x2: {  	s8 =	rddreg [dreg:$0x1];
	s1 =	srdreg.scid  }
0x3: {  	s0 =	stileid.u32;
	s2 =	rddreg [dreg:$0x2]  }
0x4: {  	s3 =	simm.s32 $0x0;
	s14 =	simm.s32 $0x2D90;
	s15 =	simm.s32 $0x2EB0  }
0x5: {  	s16 =	simm.s32 $0x2DC0;
	s17 =	simm.s32 $0x49B0;
	s18 =	simm.s32 $0x2DF0  }
0x6: {  	s19 =	simm.s32 $0x64B0;
	s20 =	simm.s32 $0x1;
	s21 =	simm.s32 $0x2E20  }
0x7: {  	s22 =	simm.s32 $0x4;
	s23 =	simm.s32 $0x3;
	s6 =	smul.u32 $0x15F90, s0  }
0x8: {  	s24 =	simm.s32 $0x2E80;
	s25 =	simm.s32 $0x6;
	s30 =	smul.u32 $0x20A0, s0  }
0x9: {  	s7 =	sand.u32 $0x1, s1;
	[smem:$0x7FF] =	sst s3;
	s13 =	smul.u32 $0x5B2, s0  }
0xa: {  	s31 =	sshll.u32 s0, $0x6;
	s4 =	smul.u32 $0x15F900, s7;
	s10 =	ssub.s32 $0x2, s7  }
0xb: {  	_ =	strace $0x80000047;
	p0 =	seq.s32 s7, $0x1;
	s11 =	sshrl.u32 s10, $0x1  }
0xc: {  	s12 =	sadd.s32 s6, s2;
	s7 =	sadd.s32 s8, s13;
	s13 =	simm.s32 $0x30  }
.Ltmp0:
0xd: {  	s9 =	sadd.s32 s6, s4;
	s4 =	sadd.s32 $0xE00, s5;
	(pc) =	sbr.rel .LBB2_1-.Ltmp0, $4  }
0xe: {  	s10 =	ssub.s32 s10, s11;
	s6 =	sor.u32 $0x1C07, s31;
	s11 =	sshrl.u32 s30, $0x3  }
0xf: {  	s9 =	sshrl.u32 s9, $0x3;
	s8 =	sadd.s32 s8, s11;
	s10 =	smax.u32 s10, $0x1  }
0x10: {  	s11 =	sshrl.u32 s12, $0x3;
	s12 =	simm.s32 $0x7;
	s9 =	sadd.s32 s9, s5  }
0x11: {  	s5 =	sadd.s32 $0x2CD20, s5;
	s8 =	sadd.s32 $0x5B20, s8;
	s9 =	sadd.s32 $0x30200, s9  }
.LBB2_7:
0x12: {  	v1 =	vshrl.u32 @!p2 v0, $0xE  }
0x13: {  	v0 =	vand.u32 @!p2 $0x3FFF, v0;
	[tilespmem:$0x2DE0] =	vst @!p2 v1  }
0x14: {  	s1 =	simm.s32 @!p2 $0x2DC0;
	[tilespmem:$0x2E70] =	vst @!p2 v0  }
0x15: {  	[tilespmem:s30], [sflag:$0x2] =	stream.indirect.gather @!p2 [hbm4b:s4+s29], $0x90, s1, s29, $0xb8;
	[tilespmem:$0x1DF40] =	vst v63  }
0x16: {  	_ =	swait.ge [sflag:s23], $0x1B00  }
0x17: {  	[sflag:s23] =	ssyncset.done $0x0  }
0x18: {  	[sflag:s23] =	ssyncadd.s32 $0xFFFFE500  }
0x19: {  	[spmem:s2] =	stream.indirect.scatter.add.f32 [tilespmem:s19], [sflag:$0x6], $0x90, s24, s13, $0xb8;
	[tilespmem:$0x1DF40] =	vst v63  }
.LBB2_8:
0x1a: {  	_ =	swait.ge [sflag:s25], $0x1B00  }
0x1b: {  	s3 =	sadd.s32 $0x1, s3;
	[sflag:s25] =	ssyncset.done $0x0  }
0x1c: {  	p1 =	sne.s32 s3, s10;
	[sflag:s25] =	ssyncadd.s32 $0xFFFFE500  }
.Ltmp1:
0x1d: {  	[bflag:$0x0] =	sbarrier.arrive $0xFFFF;
	(pc) =	sbr.rel @!p1 .LBB2_9-.Ltmp1, $4  }
0x1e: {  	[hbm:s9], [sflag:s6] =	dma.local [spmem:s11], $0x2BF2  }
0x1f: {  	_ =	swait.ge [sflag:s12], $0x2BF2  }
0x20: {  	[sflag:s12] =	ssyncset.done $0x0  }
0x21: {  	[sflag:s12] =	ssyncadd.s32 $0xFFFFD40E  }
.LBB2_1:
0x22: {  	[spmem:s11], [sflag:s6] =	dma.local [hbm:s5], $0x2BF2  }
.Ltmp2:
0x23: {  	_ =	swait.ge [sflag:s12], $0x2BF2;
	(pc) =	sbr.rel @!p0 .LBB2_2-.Ltmp2, $3  }
0x24: {  	[sflag:s12] =	ssyncset.done $0x0  }
0x25: {  	[sflag:s12] =	ssyncadd.s32 $0xFFFFD40E  }
0x26: {  	[bflag:$0x0] =	sbarrier.arrive $0xFFFF;
	_ =	sdelay $0x1  }
0x27: {  	s1 =	simm.s32 $0x0  }
0x28: {  	[tilespmem:s1], [sflag:$0x7] =	stream.linear.gather [hbm4b:s8+s1], $0x20A0, $0x38;
	[tilespmem:$0x1DF40] =	vst v63  }
0x29: {  	_ =	swait.ge [sflag:s12], $0x20A0  }
0x2a: {  	[sflag:s12] =	ssyncset.done $0x0  }
0x2b: {  	[sflag:s12] =	ssyncadd.s32 $0xFFFFDF60  }
0x2c: {  	v0 =	vld [tilespmem:$0x0];
	_ =	sdelay $0x1  }
0x2d: {  	v1 =	vld [tilespmem:$0x10];
	_ =	sdelay $0x1  }
0x2e: {  	v2 =	vld [tilespmem:$0x20]  }
0x2f: {  	v3 =	vshrl.u32 v0, $0xE  }
0x30: {  	v0 =	vand.u32 $0x3FFF, v0;
	[tilespmem:$0x2D90] =	vst v3  }
0x31: {  	[tilespmem:$0x2E20] =	vst v0;
	v0 =	vshrl.u32 v1, $0xE  }
0x32: {  	[tilespmem:$0x2DA0] =	vst v0;
	v0 =	vand.u32 $0x3FFF, v1  }
0x33: {  	[tilespmem:$0x2E30] =	vst v0;
	v0 =	vshrl.u32 v2, $0xE  }
0x34: {  	[tilespmem:$0x2DB0] =	vst v0;
	v0 =	vand.u32 $0x3FFF, v2  }
0x35: {  	[tilespmem:$0x2E40] =	vst v0  }
0x36: {  	[tilespmem:s15], [sflag:$0x1] =	stream.indirect.gather [hbm4b:s4+s13], $0x90, s14, s13, $0xb8;
	[tilespmem:$0x1DF40] =	vst v63  }
0x37: {  	v0 =	vld [tilespmem:$0x30];
	_ =	sdelay $0x1  }
0x38: {  	v1 =	vld [tilespmem:$0x40];
	_ =	sdelay $0x1  }
0x39: {  	v2 =	vld [tilespmem:$0x50]  }
0x3a: {  	v3 =	vshrl.u32 v0, $0xE  }
0x3b: {  	v0 =	vand.u32 $0x3FFF, v0;
	[tilespmem:$0x2DC0] =	vst v3  }
0x3c: {  	[tilespmem:$0x2E50] =	vst v0;
	v0 =	vshrl.u32 v1, $0xE  }
0x3d: {  	[tilespmem:$0x2DD0] =	vst v0;
	v0 =	vand.u32 $0x3FFF, v1  }
0x3e: {  	[tilespmem:$0x2E60] =	vst v0;
	v0 =	vshrl.u32 v2, $0xE  }
0x3f: {  	p1 =	por $0x1, $0x1;
	[tilespmem:$0x2DE0] =	vst v0;
	v0 =	vand.u32 $0x3FFF, v2  }
0x40: {  	s1 =	simm.s32 @!p1 $0x6;
	[tilespmem:$0x2E70] =	vst v0  }
0x41: {  	[tilespmem:s17], [sflag:$0x2] =	stream.indirect.gather [hbm4b:s4+s13], $0x90, s16, s13, $0xb8;
	[tilespmem:$0x1DF40] =	vst v63  }
0x42: {  	_ =	swait.ge @!p1 [sflag:s1], $0x1B00  }
0x43: {  	[sflag:s1] =	ssyncset.done @!p1 $0x0  }
0x44: {  	s31 =	simm.s32 $0x0;
	[sflag:s1] =	ssyncadd.s32 @!p1 $0xFFFFE500  }
0x45: {  	v0 =	vld [tilespmem:s31+$0x60];
	_ =	sdelay $0x4  }
0x46: {  	v1 =	vshrl.u32 v0, $0xE  }
0x47: {  	v0 =	vand.u32 $0x3FFF, v0;
	[tilespmem:$0x2DF0] =	vst v1  }
0x48: {  	[tilespmem:$0x2E80] =	vst v0  }
0x49: {  	v0 =	vld [tilespmem:s31+$0x70];
	_ =	sdelay $0x4  }
0x4a: {  	v1 =	vshrl.u32 v0, $0xE  }
0x4b: {  	v0 =	vand.u32 $0x3FFF, v0;
	[tilespmem:$0x2E00] =	vst v1  }
0x4c: {  	[tilespmem:$0x2E90] =	vst v0  }
0x4d: {  	v0 =	vld [tilespmem:s31+$0x80];
	_ =	sdelay $0x4  }
0x4e: {  	v1 =	vshrl.u32 v0, $0xE  }
0x4f: {  	v0 =	vand.u32 $0x3FFF, v0;
	[tilespmem:$0x2E10] =	vst v1  }
0x50: {  	[tilespmem:$0x2EA0] =	vst v0  }
0x51: {  	[tilespmem:s19], [sflag:$0x3] =	stream.indirect.gather [hbm4b:s4+s13], $0x90, s18, s13, $0xb8;
	[tilespmem:$0x1DF40] =	vst v63  }
0x52: {  	_ =	swait.ge [sflag:s20], $0x1B00  }
0x53: {  	[sflag:s20] =	ssyncset.done $0x0  }
0x54: {  	[sflag:s20] =	ssyncadd.s32 $0xFFFFE500  }
0x55: {  	[spmem:s2] =	stream.indirect.scatter.add.f32 [tilespmem:s15], [sflag:$0x4], $0x90, s21, s13, $0xb8;
	[tilespmem:$0x1DF40] =	vst v63  }
0x56: {  	_ =	swait.ge [sflag:s22], $0x1B00  }
0x57: {  	p2 =	por $0x0, $0x0;
	[sflag:s22] =	ssyncset.done $0x0  }
0x58: {  	s1 =	simm.s32 @p2 $0x2;
	[sflag:s22] =	ssyncadd.s32 $0xFFFFE500  }
0x59: {  	_ =	swait.ge @p2 [sflag:s1], $0x1B00  }
0x5a: {  	s26 =	simm.s32 @p2 $0x49B0;
	s28 =	simm.s32 @p2 $0x5;
	[sflag:s1] =	ssyncset.done @p2 $0x0  }
0x5b: {  	s29 =	simm.s32 @p2 $0x2E50;
	[sflag:s1] =	ssyncadd.s32 @p2 $0xFFFFE500;
	s1 =	simm.s32 @p2 $0x30  }
0x5c: {  	[spmem:s2] =	stream.indirect.scatter.add.f32 @p2 [tilespmem:s26], [sflag:$0x5], $0x90, s29, s1, $0xb8;
	[tilespmem:$0x1DF40] =	vst v63  }
0x5d: {  	_ =	swait.ge @p2 [sflag:s28], $0x1B00  }
0x5e: {  	[sflag:s28] =	ssyncset.done @p2 $0x0  }
0x5f: {  	s1 =	simm.s32 @!p2 $0x0;
	[sflag:s28] =	ssyncadd.s32 @p2 $0xFFFFE500  }
0x60: {  	v0 =	vld @!p2 [tilespmem:s1+$0x90];
	_ =	sdelay $0x4  }
0x61: {  	v1 =	vshrl.u32 @!p2 v0, $0xE  }
0x62: {  	v0 =	vand.u32 @!p2 $0x3FFF, v0;
	[tilespmem:$0x2D90] =	vst @!p2 v1  }
0x63: {  	[tilespmem:$0x2E20] =	vst @!p2 v0  }
0x64: {  	v0 =	vld @!p2 [tilespmem:s1+$0xA0];
	_ =	sdelay $0x4  }
0x65: {  	v1 =	vshrl.u32 @!p2 v0, $0xE  }
0x66: {  	v0 =	vand.u32 @!p2 $0x3FFF, v0;
	[tilespmem:$0x2DA0] =	vst @!p2 v1  }
0x67: {  	[tilespmem:$0x2E30] =	vst @!p2 v0  }
0x68: {  	v0 =	vld @!p2 [tilespmem:s1+$0xB0];
	_ =	sdelay $0x4  }
0x69: {  	v1 =	vshrl.u32 @!p2 v0, $0xE  }
0x6a: {  	s30 =	simm.s32 @!p2 $0x2EB0;
	v0 =	vand.u32 @!p2 $0x3FFF, v0;
	[tilespmem:$0x2DB0] =	vst @!p2 v1  }
0x6b: {  	s26 =	simm.s32 @!p2 $0x2;
	s29 =	simm.s32 @!p2 $0x30;
	s28 =	simm.s32 @!p2 $0x2D90;
	[tilespmem:$0x2E40] =	vst @!p2 v0  }
0x6c: {  	[tilespmem:s30], [sflag:$0x1] =	stream.indirect.gather @!p2 [hbm4b:s4+s29], $0x90, s28, s29, $0xb8;
	[tilespmem:$0x1DF40] =	vst v63  }
0x6d: {  	_ =	swait.ge @!p2 [sflag:s26], $0x1B00  }
0x6e: {  	s28 =	simm.s32 @!p2 $0x5;
	[sflag:s26] =	ssyncset.done @!p2 $0x0  }
0x6f: {  	s30 =	simm.s32 @!p2 $0x49B0;
	[sflag:s26] =	ssyncadd.s32 @!p2 $0xFFFFE500;
	s26 =	simm.s32 @!p2 $0x2E50  }
0x70: {  	[spmem:s2] =	stream.indirect.scatter.add.f32 @!p2 [tilespmem:s30], [sflag:$0x5], $0x90, s26, s29, $0xb8;
	[tilespmem:$0x1DF40] =	vst v63  }
0x71: {  	_ =	swait.ge @!p2 [sflag:s28], $0x1B00  }
0x72: {  	[sflag:s28] =	ssyncset.done @!p2 $0x0  }
0x73: {  	[sflag:s28] =	ssyncadd.s32 @!p2 $0xFFFFE500  }
0x74: {  	v0 =	vld @!p2 [tilespmem:s1+$0xC0];
	_ =	sdelay $0x4  }
0x75: {  	v1 =	vshrl.u32 @!p2 v0, $0xE  }
0x76: {  	v0 =	vand.u32 @!p2 $0x3FFF, v0;
	[tilespmem:$0x2DC0] =	vst @!p2 v1  }
0x77: {  	[tilespmem:$0x2E50] =	vst @!p2 v0  }
0x78: {  	v0 =	vld @!p2 [tilespmem:s1+$0xD0];
	_ =	sdelay $0x4  }
0x79: {  	v1 =	vshrl.u32 @!p2 v0, $0xE  }
0x7a: {  	v0 =	vand.u32 @!p2 $0x3FFF, v0;
	[tilespmem:$0x2DD0] =	vst @!p2 v1  }
0x7b: {  	[tilespmem:$0x2E60] =	vst @!p2 v0  }
0x7c: {  	v0 =	vld @!p2 [tilespmem:s1+$0xE0]  }
0x7d: {  	s26 =	simm.s32 $0x240  }
.LBB2_6:
0x7e: {  	s28 =	smov.u32 s26;
	s26 =	sadd.s32 $0x240, s26  }
0x7f: {  	p1 =	sne.s32 s26, $0x8280;
	_ =	sdelay $0x1  }
0x80: {  	v1 =	vshrl.u32 @!p2 v0, $0xE;
	v0 =	vand.u32 @!p2 $0x3FFF, v0  }
0x81: {  	[tilespmem:$0x2DE0] =	vst @!p2 v1  }
0x82: {  	s1 =	simm.s32 @!p2 $0x2DC0;
	[tilespmem:$0x2E70] =	vst @!p2 v0  }
0x83: {  	[tilespmem:s30], [sflag:$0x2] =	stream.indirect.gather @!p2 [hbm4b:s4+s29], $0x90, s1, s29, $0xb8;
	[tilespmem:$0x1DF40] =	vst v63  }
0x84: {  	_ =	swait.ge [sflag:s23], $0x1B00  }
0x85: {  	p2 =	seq.s32 s28, $0x0;
	[sflag:s23] =	ssyncset.done $0x0  }
0x86: {  	s1 =	simm.s32 @!p2 $0x6;
	[sflag:s23] =	ssyncadd.s32 $0xFFFFE500  }
0x87: {  	[spmem:s2] =	stream.indirect.scatter.add.f32 [tilespmem:s19], [sflag:$0x6], $0x90, s24, s13, $0xb8;
	[tilespmem:$0x1DF40] =	vst v63  }
0x88: {  	_ =	swait.ge @!p2 [sflag:s1], $0x1B00  }
0x89: {  	[sflag:s1] =	ssyncset.done @!p2 $0x0  }
0x8a: {  	[sflag:s1] =	ssyncadd.s32 @!p2 $0xFFFFE500;
	s1 =	sshra.s32 s28, $0x2  }
0x8b: {  	v0 =	vld [tilespmem:s1+$0x60];
	_ =	sdelay $0x4  }
0x8c: {  	v1 =	vshrl.u32 v0, $0xE;
	v0 =	vand.u32 $0x3FFF, v0  }
0x8d: {  	[tilespmem:$0x2DF0] =	vst v1  }
0x8e: {  	[tilespmem:$0x2E80] =	vst v0  }
0x8f: {  	v0 =	vld [tilespmem:s1+$0x70];
	_ =	sdelay $0x4  }
0x90: {  	v1 =	vshrl.u32 v0, $0xE;
	v0 =	vand.u32 $0x3FFF, v0  }
0x91: {  	[tilespmem:$0x2E00] =	vst v1  }
0x92: {  	[tilespmem:$0x2E90] =	vst v0  }
0x93: {  	v0 =	vld [tilespmem:s1+$0x80];
	_ =	sdelay $0x4  }
0x94: {  	v1 =	vshrl.u32 v0, $0xE;
	v0 =	vand.u32 $0x3FFF, v0  }
0x95: {  	[tilespmem:$0x2E10] =	vst v1  }
0x96: {  	[tilespmem:$0x2EA0] =	vst v0  }
0x97: {  	[tilespmem:s19], [sflag:$0x3] =	stream.indirect.gather [hbm4b:s4+s13], $0x90, s18, s13, $0xb8;
	[tilespmem:$0x1DF40] =	vst v63  }
0x98: {  	_ =	swait.ge [sflag:s20], $0x1B00  }
0x99: {  	[sflag:s20] =	ssyncset.done $0x0  }
0x9a: {  	[sflag:s20] =	ssyncadd.s32 $0xFFFFE500  }
0x9b: {  	[spmem:s2] =	stream.indirect.scatter.add.f32 [tilespmem:s15], [sflag:$0x4], $0x90, s21, s13, $0xb8;
	[tilespmem:$0x1DF40] =	vst v63  }
0x9c: {  	_ =	swait.ge [sflag:s22], $0x1B00  }
0x9d: {  	p2 =	seq.s32 s28, $0x8040;
	[sflag:s22] =	ssyncset.done $0x0  }
0x9e: {  	s1 =	simm.s32 @p2 $0x2;
	[sflag:s22] =	ssyncadd.s32 $0xFFFFE500  }
0x9f: {  	_ =	swait.ge @p2 [sflag:s1], $0x1B00  }
0xa0: {  	s29 =	simm.s32 @p2 $0x49B0;
	s30 =	simm.s32 @p2 $0x5;
	[sflag:s1] =	ssyncset.done @p2 $0x0  }
0xa1: {  	s31 =	simm.s32 @p2 $0x2E50;
	[sflag:s1] =	ssyncadd.s32 @p2 $0xFFFFE500;
	s1 =	simm.s32 @p2 $0x30  }
0xa2: {  	[spmem:s2] =	stream.indirect.scatter.add.f32 @p2 [tilespmem:s29], [sflag:$0x5], $0x90, s31, s1, $0xb8;
	[tilespmem:$0x1DF40] =	vst v63  }
0xa3: {  	_ =	swait.ge @p2 [sflag:s30], $0x1B00  }
0xa4: {  	[sflag:s30] =	ssyncset.done @p2 $0x0  }
0xa5: {  	s28 =	sshra.s32 @!p2 s28, $0x2;
	[sflag:s30] =	ssyncadd.s32 @p2 $0xFFFFE500  }
0xa6: {  	v0 =	vld @!p2 [tilespmem:s28+$0x90];
	_ =	sdelay $0x4  }
0xa7: {  	v1 =	vshrl.u32 @!p2 v0, $0xE;
	v0 =	vand.u32 @!p2 $0x3FFF, v0  }
0xa8: {  	[tilespmem:$0x2D90] =	vst @!p2 v1  }
0xa9: {  	[tilespmem:$0x2E20] =	vst @!p2 v0  }
0xaa: {  	v0 =	vld @!p2 [tilespmem:s28+$0xA0];
	_ =	sdelay $0x4  }
0xab: {  	v1 =	vshrl.u32 @!p2 v0, $0xE;
	v0 =	vand.u32 @!p2 $0x3FFF, v0  }
0xac: {  	[tilespmem:$0x2DA0] =	vst @!p2 v1  }
0xad: {  	[tilespmem:$0x2E30] =	vst @!p2 v0  }
0xae: {  	v0 =	vld @!p2 [tilespmem:s28+$0xB0];
	_ =	sdelay $0x4  }
0xaf: {  	v1 =	vshrl.u32 @!p2 v0, $0xE;
	v0 =	vand.u32 @!p2 $0x3FFF, v0  }
0xb0: {  	s1 =	simm.s32 @!p2 $0x2;
	[tilespmem:$0x2DB0] =	vst @!p2 v1  }
0xb1: {  	s29 =	simm.s32 @!p2 $0x30;
	s31 =	simm.s32 @!p2 $0x2EB0;
	s30 =	simm.s32 @!p2 $0x2D90;
	[tilespmem:$0x2E40] =	vst @!p2 v0  }
0xb2: {  	[tilespmem:s31], [sflag:$0x1] =	stream.indirect.gather @!p2 [hbm4b:s4+s29], $0x90, s30, s29, $0xb8;
	[tilespmem:$0x1DF40] =	vst v63  }
0xb3: {  	_ =	swait.ge @!p2 [sflag:s1], $0x1B00  }
0xb4: {  	s31 =	simm.s32 @!p2 $0x5;
	[sflag:s1] =	ssyncset.done @!p2 $0x0  }
0xb5: {  	s30 =	simm.s32 @!p2 $0x49B0;
	[sflag:s1] =	ssyncadd.s32 @!p2 $0xFFFFE500;
	s1 =	simm.s32 @!p2 $0x2E50  }
0xb6: {  	[spmem:s2] =	stream.indirect.scatter.add.f32 @!p2 [tilespmem:s30], [sflag:$0x5], $0x90, s1, s29, $0xb8;
	[tilespmem:$0x1DF40] =	vst v63  }
0xb7: {  	_ =	swait.ge @!p2 [sflag:s31], $0x1B00  }
0xb8: {  	[sflag:s31] =	ssyncset.done @!p2 $0x0  }
0xb9: {  	[sflag:s31] =	ssyncadd.s32 @!p2 $0xFFFFE500  }
0xba: {  	v0 =	vld @!p2 [tilespmem:s28+$0xC0];
	_ =	sdelay $0x4  }
0xbb: {  	v1 =	vshrl.u32 @!p2 v0, $0xE;
	v0 =	vand.u32 @!p2 $0x3FFF, v0  }
0xbc: {  	[tilespmem:$0x2DC0] =	vst @!p2 v1  }
0xbd: {  	[tilespmem:$0x2E50] =	vst @!p2 v0  }
0xbe: {  	v0 =	vld @!p2 [tilespmem:s28+$0xD0];
	_ =	sdelay $0x3  }
.Ltmp3:
0xbf: {  	(pc) =	sbr.rel @p1 .LBB2_6-.Ltmp3, $4  }
0xc0: {  	v1 =	vshrl.u32 @!p2 v0, $0xE;
	v0 =	vand.u32 @!p2 $0x3FFF, v0  }
0xc1: {  	[tilespmem:$0x2DD0] =	vst @!p2 v1  }
0xc2: {  	[tilespmem:$0x2E60] =	vst @!p2 v0  }
0xc3: {  	v0 =	vld @!p2 [tilespmem:s28+$0xE0]  }
.Ltmp4:
0xc4: {  	_ = 	snop;
	(pc) =	sbr.rel .LBB2_7-.Ltmp4, $1  }
0xc5: {  	_ =	sdelay $0x3  }
.LBB2_2:
0xc6: {  	s26 =	simm.s32 $0x0  }
0xc7: {  	[tilespmem:s26], [sflag:$0x7] =	stream.linear.gather [hbm4b:s7+s26], $0x2D90, $0x38;
	[tilespmem:$0x1DF40] =	vst v63  }
0xc8: {  	_ =	swait.ge [sflag:s12], $0x2D90  }
0xc9: {  	[sflag:s12] =	ssyncset.done $0x0  }
0xca: {  	[sflag:s12] =	ssyncadd.s32 $0xFFFFD270  }
0xcb: {  	v0 =	vld [tilespmem:$0x0];
	_ =	sdelay $0x1  }
0xcc: {  	v1 =	vld [tilespmem:$0x10];
	_ =	sdelay $0x1  }
0xcd: {  	v2 =	vld [tilespmem:$0x20]  }
0xce: {  	v3 =	vshrl.u32 v0, $0xE  }
0xcf: {  	v0 =	vand.u32 $0x3FFF, v0;
	[tilespmem:$0x2D90] =	vst v3  }
0xd0: {  	[tilespmem:$0x2E20] =	vst v0;
	v0 =	vshrl.u32 v1, $0xE  }
0xd1: {  	[tilespmem:$0x2DA0] =	vst v0;
	v0 =	vand.u32 $0x3FFF, v1  }
0xd2: {  	[tilespmem:$0x2E30] =	vst v0;
	v0 =	vshrl.u32 v2, $0xE  }
0xd3: {  	[tilespmem:$0x2DB0] =	vst v0;
	v0 =	vand.u32 $0x3FFF, v2  }
0xd4: {  	[tilespmem:$0x2E40] =	vst v0  }
0xd5: {  	[tilespmem:s15], [sflag:$0x1] =	stream.indirect.gather [hbm4b:s4+s13], $0x90, s14, s13, $0xb8;
	[tilespmem:$0x1DF40] =	vst v63  }
0xd6: {  	v0 =	vld [tilespmem:$0x30];
	_ =	sdelay $0x1  }
0xd7: {  	v1 =	vld [tilespmem:$0x40];
	_ =	sdelay $0x1  }
0xd8: {  	v2 =	vld [tilespmem:$0x50]  }
0xd9: {  	v3 =	vshrl.u32 v0, $0xE  }
0xda: {  	v0 =	vand.u32 $0x3FFF, v0;
	[tilespmem:$0x2DC0] =	vst v3  }
0xdb: {  	[tilespmem:$0x2E50] =	vst v0;
	v0 =	vshrl.u32 v1, $0xE  }
0xdc: {  	[tilespmem:$0x2DD0] =	vst v0;
	v0 =	vand.u32 $0x3FFF, v1  }
0xdd: {  	[tilespmem:$0x2E60] =	vst v0;
	v0 =	vshrl.u32 v2, $0xE  }
0xde: {  	p1 =	por $0x1, $0x1;
	[tilespmem:$0x2DE0] =	vst v0;
	v0 =	vand.u32 $0x3FFF, v2  }
0xdf: {  	s26 =	simm.s32 @!p1 $0x6;
	[tilespmem:$0x2E70] =	vst v0  }
0xe0: {  	[tilespmem:s17], [sflag:$0x2] =	stream.indirect.gather [hbm4b:s4+s13], $0x90, s16, s13, $0xb8;
	[tilespmem:$0x1DF40] =	vst v63  }
0xe1: {  	_ =	swait.ge @!p1 [sflag:s26], $0x1B00  }
0xe2: {  	[sflag:s26] =	ssyncset.done @!p1 $0x0  }
0xe3: {  	s31 =	simm.s32 $0x0;
	[sflag:s26] =	ssyncadd.s32 @!p1 $0xFFFFE500  }
0xe4: {  	v0 =	vld [tilespmem:s31+$0x60];
	_ =	sdelay $0x4  }
0xe5: {  	v1 =	vshrl.u32 v0, $0xE  }
0xe6: {  	v0 =	vand.u32 $0x3FFF, v0;
	[tilespmem:$0x2DF0] =	vst v1  }
0xe7: {  	[tilespmem:$0x2E80] =	vst v0  }
0xe8: {  	v0 =	vld [tilespmem:s31+$0x70];
	_ =	sdelay $0x4  }
0xe9: {  	v1 =	vshrl.u32 v0, $0xE  }
0xea: {  	v0 =	vand.u32 $0x3FFF, v0;
	[tilespmem:$0x2E00] =	vst v1  }
0xeb: {  	[tilespmem:$0x2E90] =	vst v0  }
0xec: {  	v0 =	vld [tilespmem:s31+$0x80];
	_ =	sdelay $0x4  }
0xed: {  	v1 =	vshrl.u32 v0, $0xE  }
0xee: {  	v0 =	vand.u32 $0x3FFF, v0;
	[tilespmem:$0x2E10] =	vst v1  }
0xef: {  	[tilespmem:$0x2EA0] =	vst v0  }
0xf0: {  	[tilespmem:s19], [sflag:$0x3] =	stream.indirect.gather [hbm4b:s4+s13], $0x90, s18, s13, $0xb8;
	[tilespmem:$0x1DF40] =	vst v63  }
0xf1: {  	_ =	swait.ge [sflag:s20], $0x1B00  }
0xf2: {  	[sflag:s20] =	ssyncset.done $0x0  }
0xf3: {  	[sflag:s20] =	ssyncadd.s32 $0xFFFFE500  }
0xf4: {  	[spmem:s2] =	stream.indirect.scatter.add.f32 [tilespmem:s15], [sflag:$0x4], $0x90, s21, s13, $0xb8;
	[tilespmem:$0x1DF40] =	vst v63  }
0xf5: {  	_ =	swait.ge [sflag:s22], $0x1B00  }
0xf6: {  	p2 =	por $0x0, $0x0;
	[sflag:s22] =	ssyncset.done $0x0  }
0xf7: {  	s26 =	simm.s32 @p2 $0x2;
	[sflag:s22] =	ssyncadd.s32 $0xFFFFE500  }
0xf8: {  	_ =	swait.ge @p2 [sflag:s26], $0x1B00  }
0xf9: {  	s28 =	simm.s32 @p2 $0x49B0;
	s29 =	simm.s32 @p2 $0x5;
	[sflag:s26] =	ssyncset.done @p2 $0x0  }
0xfa: {  	s30 =	simm.s32 @p2 $0x2E50;
	[sflag:s26] =	ssyncadd.s32 @p2 $0xFFFFE500;
	s26 =	simm.s32 @p2 $0x30  }
0xfb: {  	[spmem:s2] =	stream.indirect.scatter.add.f32 @p2 [tilespmem:s28], [sflag:$0x5], $0x90, s30, s26, $0xb8;
	[tilespmem:$0x1DF40] =	vst v63  }
0xfc: {  	_ =	swait.ge @p2 [sflag:s29], $0x1B00  }
0xfd: {  	[sflag:s29] =	ssyncset.done @p2 $0x0  }
0xfe: {  	s28 =	simm.s32 @!p2 $0x0;
	[sflag:s29] =	ssyncadd.s32 @p2 $0xFFFFE500  }
0xff: {  	v0 =	vld @!p2 [tilespmem:s28+$0x90];
	_ =	sdelay $0x4  }
0x100: {  	v1 =	vshrl.u32 @!p2 v0, $0xE  }
0x101: {  	v0 =	vand.u32 @!p2 $0x3FFF, v0;
	[tilespmem:$0x2D90] =	vst @!p2 v1  }
0x102: {  	[tilespmem:$0x2E20] =	vst @!p2 v0  }
0x103: {  	v0 =	vld @!p2 [tilespmem:s28+$0xA0];
	_ =	sdelay $0x4  }
0x104: {  	v1 =	vshrl.u32 @!p2 v0, $0xE  }
0x105: {  	v0 =	vand.u32 @!p2 $0x3FFF, v0;
	[tilespmem:$0x2DA0] =	vst @!p2 v1  }
0x106: {  	[tilespmem:$0x2E30] =	vst @!p2 v0  }
0x107: {  	v0 =	vld @!p2 [tilespmem:s28+$0xB0];
	_ =	sdelay $0x4  }
0x108: {  	v1 =	vshrl.u32 @!p2 v0, $0xE  }
0x109: {  	s31 =	simm.s32 @!p2 $0x2EB0;
	v0 =	vand.u32 @!p2 $0x3FFF, v0;
	[tilespmem:$0x2DB0] =	vst @!p2 v1  }
0x10a: {  	s26 =	simm.s32 @!p2 $0x2;
	s30 =	simm.s32 @!p2 $0x2D90;
	s29 =	simm.s32 @!p2 $0x30;
	[tilespmem:$0x2E40] =	vst @!p2 v0  }
0x10b: {  	[tilespmem:s31], [sflag:$0x1] =	stream.indirect.gather @!p2 [hbm4b:s4+s29], $0x90, s30, s29, $0xb8;
	[tilespmem:$0x1DF40] =	vst v63  }
0x10c: {  	_ =	swait.ge @!p2 [sflag:s26], $0x1B00  }
0x10d: {  	s31 =	simm.s32 @!p2 $0x5;
	[sflag:s26] =	ssyncset.done @!p2 $0x0  }
0x10e: {  	s30 =	simm.s32 @!p2 $0x49B0;
	[sflag:s26] =	ssyncadd.s32 @!p2 $0xFFFFE500;
	s26 =	simm.s32 @!p2 $0x2E50  }
0x10f: {  	[spmem:s2] =	stream.indirect.scatter.add.f32 @!p2 [tilespmem:s30], [sflag:$0x5], $0x90, s26, s29, $0xb8;
	[tilespmem:$0x1DF40] =	vst v63  }
0x110: {  	_ =	swait.ge @!p2 [sflag:s31], $0x1B00  }
0x111: {  	[sflag:s31] =	ssyncset.done @!p2 $0x0  }
0x112: {  	[sflag:s31] =	ssyncadd.s32 @!p2 $0xFFFFE500  }
0x113: {  	v0 =	vld @!p2 [tilespmem:s28+$0xC0];
	_ =	sdelay $0x4  }
0x114: {  	v1 =	vshrl.u32 @!p2 v0, $0xE  }
0x115: {  	v0 =	vand.u32 @!p2 $0x3FFF, v0;
	[tilespmem:$0x2DC0] =	vst @!p2 v1  }
0x116: {  	[tilespmem:$0x2E50] =	vst @!p2 v0  }
0x117: {  	v0 =	vld @!p2 [tilespmem:s28+$0xD0];
	_ =	sdelay $0x4  }
0x118: {  	v1 =	vshrl.u32 @!p2 v0, $0xE  }
0x119: {  	v0 =	vand.u32 @!p2 $0x3FFF, v0;
	[tilespmem:$0x2DD0] =	vst @!p2 v1  }
0x11a: {  	[tilespmem:$0x2E60] =	vst @!p2 v0  }
0x11b: {  	s26 =	simm.s32 $0x240;
	v0 =	vld @!p2 [tilespmem:s28+$0xE0]  }
.LBB2_3:
0x11c: {  	_ = 	snop  }
0x11d: {  	s28 =	smov.u32 s26;
	s26 =	sadd.s32 $0x240, s26  }
0x11e: {  	p1 =	seq.s32 s26, $0xB640;
	_ =	sdelay $0x1  }
0x11f: {  	v1 =	vshrl.u32 @!p2 v0, $0xE;
	v0 =	vand.u32 @!p2 $0x3FFF, v0  }
0x120: {  	[tilespmem:$0x2DE0] =	vst @!p2 v1  }
0x121: {  	s31 =	simm.s32 @!p2 $0x2DC0;
	[tilespmem:$0x2E70] =	vst @!p2 v0  }
0x122: {  	[tilespmem:s30], [sflag:$0x2] =	stream.indirect.gather @!p2 [hbm4b:s4+s29], $0x90, s31, s29, $0xb8;
	[tilespmem:$0x1DF40] =	vst v63  }
0x123: {  	_ =	swait.ge [sflag:s23], $0x1B00  }
0x124: {  	p2 =	seq.s32 s28, $0x0;
	[sflag:s23] =	ssyncset.done $0x0  }
0x125: {  	s29 =	simm.s32 @!p2 $0x6;
	[sflag:s23] =	ssyncadd.s32 $0xFFFFE500  }
0x126: {  	[spmem:s2] =	stream.indirect.scatter.add.f32 [tilespmem:s19], [sflag:$0x6], $0x90, s24, s13, $0xb8;
	[tilespmem:$0x1DF40] =	vst v63  }
0x127: {  	_ =	swait.ge @!p2 [sflag:s29], $0x1B00  }
0x128: {  	[sflag:s29] =	ssyncset.done @!p2 $0x0  }
0x129: {  	[sflag:s29] =	ssyncadd.s32 @!p2 $0xFFFFE500;
	s29 =	sshra.s32 s28, $0x2  }
0x12a: {  	v0 =	vld [tilespmem:s29+$0x60];
	_ =	sdelay $0x4  }
0x12b: {  	v1 =	vshrl.u32 v0, $0xE;
	v0 =	vand.u32 $0x3FFF, v0  }
0x12c: {  	[tilespmem:$0x2DF0] =	vst v1  }
0x12d: {  	[tilespmem:$0x2E80] =	vst v0  }
0x12e: {  	v0 =	vld [tilespmem:s29+$0x70];
	_ =	sdelay $0x4  }
0x12f: {  	v1 =	vshrl.u32 v0, $0xE;
	v0 =	vand.u32 $0x3FFF, v0  }
0x130: {  	[tilespmem:$0x2E00] =	vst v1  }
0x131: {  	[tilespmem:$0x2E90] =	vst v0  }
0x132: {  	v0 =	vld [tilespmem:s29+$0x80];
	_ =	sdelay $0x4  }
0x133: {  	v1 =	vshrl.u32 v0, $0xE;
	v0 =	vand.u32 $0x3FFF, v0  }
0x134: {  	[tilespmem:$0x2E10] =	vst v1  }
0x135: {  	[tilespmem:$0x2EA0] =	vst v0  }
0x136: {  	[tilespmem:s19], [sflag:$0x3] =	stream.indirect.gather [hbm4b:s4+s13], $0x90, s18, s13, $0xb8;
	[tilespmem:$0x1DF40] =	vst v63  }
0x137: {  	_ =	swait.ge [sflag:s20], $0x1B00  }
0x138: {  	[sflag:s20] =	ssyncset.done $0x0  }
0x139: {  	[sflag:s20] =	ssyncadd.s32 $0xFFFFE500  }
0x13a: {  	[spmem:s2] =	stream.indirect.scatter.add.f32 [tilespmem:s15], [sflag:$0x4], $0x90, s21, s13, $0xb8;
	[tilespmem:$0x1DF40] =	vst v63  }
0x13b: {  	_ =	swait.ge [sflag:s22], $0x1B00  }
0x13c: {  	p2 =	seq.s32 s28, $0xB400;
	[sflag:s22] =	ssyncset.done $0x0  }
0x13d: {  	s29 =	simm.s32 @p2 $0x2;
	[sflag:s22] =	ssyncadd.s32 $0xFFFFE500  }
0x13e: {  	_ =	swait.ge @p2 [sflag:s29], $0x1B00  }
0x13f: {  	s30 =	simm.s32 @p2 $0x49B0;
	s31 =	simm.s32 @p2 $0x5;
	[sflag:s29] =	ssyncset.done @p2 $0x0  }
0x140: {  	s1 =	simm.s32 @p2 $0x2E50;
	[sflag:s29] =	ssyncadd.s32 @p2 $0xFFFFE500;
	s29 =	simm.s32 @p2 $0x30  }
0x141: {  	[spmem:s2] =	stream.indirect.scatter.add.f32 @p2 [tilespmem:s30], [sflag:$0x5], $0x90, s1, s29, $0xb8;
	[tilespmem:$0x1DF40] =	vst v63  }
0x142: {  	_ =	swait.ge @p2 [sflag:s31], $0x1B00  }
0x143: {  	[sflag:s31] =	ssyncset.done @p2 $0x0  }
0x144: {  	s28 =	sshra.s32 @!p2 s28, $0x2;
	[sflag:s31] =	ssyncadd.s32 @p2 $0xFFFFE500  }
0x145: {  	v0 =	vld @!p2 [tilespmem:s28+$0x90];
	_ =	sdelay $0x4  }
0x146: {  	v1 =	vshrl.u32 @!p2 v0, $0xE;
	v0 =	vand.u32 @!p2 $0x3FFF, v0  }
0x147: {  	[tilespmem:$0x2D90] =	vst @!p2 v1  }
0x148: {  	[tilespmem:$0x2E20] =	vst @!p2 v0  }
0x149: {  	v0 =	vld @!p2 [tilespmem:s28+$0xA0];
	_ =	sdelay $0x4  }
0x14a: {  	v1 =	vshrl.u32 @!p2 v0, $0xE;
	v0 =	vand.u32 @!p2 $0x3FFF, v0  }
0x14b: {  	[tilespmem:$0x2DA0] =	vst @!p2 v1  }
0x14c: {  	[tilespmem:$0x2E30] =	vst @!p2 v0  }
0x14d: {  	v0 =	vld @!p2 [tilespmem:s28+$0xB0];
	_ =	sdelay $0x4  }
0x14e: {  	v1 =	vshrl.u32 @!p2 v0, $0xE;
	v0 =	vand.u32 @!p2 $0x3FFF, v0  }
0x14f: {  	s1 =	simm.s32 @!p2 $0x2;
	[tilespmem:$0x2DB0] =	vst @!p2 v1  }
0x150: {  	s29 =	simm.s32 @!p2 $0x30;
	s30 =	simm.s32 @!p2 $0x2D90;
	s31 =	simm.s32 @!p2 $0x2EB0;
	[tilespmem:$0x2E40] =	vst @!p2 v0  }
0x151: {  	[tilespmem:s31], [sflag:$0x1] =	stream.indirect.gather @!p2 [hbm4b:s4+s29], $0x90, s30, s29, $0xb8;
	[tilespmem:$0x1DF40] =	vst v63  }
0x152: {  	_ =	swait.ge @!p2 [sflag:s1], $0x1B00  }
0x153: {  	s31 =	simm.s32 @!p2 $0x5;
	[sflag:s1] =	ssyncset.done @!p2 $0x0  }
0x154: {  	s30 =	simm.s32 @!p2 $0x49B0;
	[sflag:s1] =	ssyncadd.s32 @!p2 $0xFFFFE500;
	s1 =	simm.s32 @!p2 $0x2E50  }
0x155: {  	[spmem:s2] =	stream.indirect.scatter.add.f32 @!p2 [tilespmem:s30], [sflag:$0x5], $0x90, s1, s29, $0xb8;
	[tilespmem:$0x1DF40] =	vst v63  }
0x156: {  	_ =	swait.ge @!p2 [sflag:s31], $0x1B00  }
0x157: {  	[sflag:s31] =	ssyncset.done @!p2 $0x0  }
0x158: {  	[sflag:s31] =	ssyncadd.s32 @!p2 $0xFFFFE500  }
0x159: {  	v0 =	vld @!p2 [tilespmem:s28+$0xC0];
	_ =	sdelay $0x4  }
0x15a: {  	v1 =	vshrl.u32 @!p2 v0, $0xE;
	v0 =	vand.u32 @!p2 $0x3FFF, v0  }
0x15b: {  	[tilespmem:$0x2DC0] =	vst @!p2 v1  }
0x15c: {  	[tilespmem:$0x2E50] =	vst @!p2 v0  }
0x15d: {  	v0 =	vld @!p2 [tilespmem:s28+$0xD0];
	_ =	sdelay $0x3  }
.Ltmp5:
0x15e: {  	(pc) =	sbr.rel @!p1 .LBB2_3-.Ltmp5, $4  }
0x15f: {  	v1 =	vshrl.u32 @!p2 v0, $0xE;
	v0 =	vand.u32 @!p2 $0x3FFF, v0  }
0x160: {  	[tilespmem:$0x2DD0] =	vst @!p2 v1  }
0x161: {  	[tilespmem:$0x2E60] =	vst @!p2 v0  }
0x162: {  	v0 =	vld @!p2 [tilespmem:s28+$0xE0]  }
0x163: {  	_ =	sdelay $0x3  }
0x164: {  	v1 =	vshrl.u32 @!p2 v0, $0xE  }
0x165: {  	v0 =	vand.u32 @!p2 $0x3FFF, v0;
	[tilespmem:$0x2DE0] =	vst @!p2 v1  }
0x166: {  	s1 =	simm.s32 @!p2 $0x2DC0;
	[tilespmem:$0x2E70] =	vst @!p2 v0  }
0x167: {  	[tilespmem:s30], [sflag:$0x2] =	stream.indirect.gather @!p2 [hbm4b:s4+s29], $0x90, s1, s29, $0xb8;
	[tilespmem:$0x1DF40] =	vst v63  }
.Ltmp6:
0x168: {  	_ = 	snop;
	(pc) =	sbr.rel .LBB2_8-.Ltmp6, $4  }
0x169: {  	_ =	swait.ge [sflag:s23], $0x1B00  }
0x16a: {  	[sflag:s23] =	ssyncset.done $0x0  }
0x16b: {  	[sflag:s23] =	ssyncadd.s32 $0xFFFFE500  }
0x16c: {  	[spmem:s2] =	stream.indirect.scatter.add.f32 [tilespmem:s19], [sflag:$0x6], $0x90, s24, s13, $0xb8;
	[tilespmem:$0x1DF40] =	vst v63  }
.LBB2_9:
0x16d: {  	_ =	sfence.sel $0x180000  }
0x16e: {  	[bflag:$0x0] =	sbarrier.arrive $0xFFFF  }
0x16f: {  	_ =	strace $0x90000047  }
0x170: {  	[bflag:$0x2] =	sbarrier.arrive $0xFFFF  }
0x171: {  	p0 =	sne.s32 s0, $0x0;
	s0 =	rddreg [dreg:$0x3]  }
0x172: {  	s0 =	sadd.s32 @!p0 $0x100000, s0  }
0x173: {  	[sflag:s0] =	ssyncadd.tile.s32 @!p0 $0x1;
	_ =	shalt  }
.Lfunc_end2:
_tile_overlayer_lowered:
.L_overlay_start_2:
0x174: {  	(tag) =	ssettag $0x2  }
0x175: {  	s0 =	rddreg [dreg:$0x0];
	s2 =	stileid.u32  }
0x176: {  	s1 =	rddreg [dreg:$0x1];
	p0 =	sne.s32 s2, $0x0  }
0x177: {  	s3 =	rddreg [dreg:$0x2];
	[bflag:$0x3] =	sbarrier.arrive $0xFFFF;
	s2 =	simm.s32 @!p0 $0x1C07  }
0x178: {  	[timem:s3], [sflag:s2] =	dma.local @!p0 [hbm:s0], s1  }
0x179: {  	s0 =	simm.s32 @!p0 $0x7  }
0x17a: {  	_ =	swait.ge @!p0 [sflag:s0], s1  }
0x17b: {  	s1 =	ssub.s32 @!p0 $0x0, s1;
	[sflag:s0] =	ssyncset.done @!p0 $0x0  }
0x17c: {  	[sflag:s0] =	ssyncadd.s32 @!p0 s1  }
0x17d: {  	[bflag:$0x3] =	sbarrier.arrive $0xFFFF  }
0x17e: {  	_ =	shalt  }

</sc_bundles>
